<compile_context>
chip_gen: v7x
topology: tpu7x:2x2x1
jax: 0.10.2.dev20260603
libtpu: 0.0.44.dev20260713+nightly
codegen_flags: <defaults>
</compile_context>

<pallas_src>
import functools

import jax
import jax.numpy as jnp
from jax import lax
from jax.experimental import pallas as pl
from jax.experimental.pallas import tpu as pltpu
from jax.experimental.pallas import tpu_sc as plsc

NC = 2
NS = 16
L = 16
NW = NC * NS
B = 16384
NEG = 25
PAIRS = NEG + 1
H = 64
HV = H // L
PW = B // NW * PAIRS
CH_ROWS = 4
CP = CH_ROWS * PAIRS
NCH = PW // CP
MARGIN = 1.0


def _sc_loss_call():
    mesh = plsc.VectorSubcoreMesh(
        core_axis_name="c", subcore_axis_name="s", num_cores=NC)

    @functools.partial(
        pl.kernel,
        mesh=mesh,
        compiler_params=pltpu.CompilerParams(
            use_tc_tiling_on_sc=False, needs_layout_passes=False),
        out_type=jax.ShapeDtypeStruct((NW * L,), jnp.float32),
        scratch_types=[
            pltpu.VMEM((PW,), jnp.int32),
            pltpu.VMEM((PW,), jnp.int32),
            pltpu.VMEM((PW,), jnp.int32),
            pltpu.VMEM((2, CP, H), jnp.int32),
            pltpu.VMEM((2, CP, H), jnp.int32),
            pltpu.VMEM((2, CP, H), jnp.int32),
            pltpu.VMEM((L,), jnp.float32),
            pltpu.SemaphoreType.DMA,
            pltpu.SemaphoreType.DMA,
        ],
    )
    def sc_loss(h_hbm, t_hbm, r_hbm, ent_pk, rel_pk, out_hbm,
                hidx, tidx, ridx, hb, tb, rb, outv, sem0, sem1):
        wid = lax.axis_index("s") * NC + lax.axis_index("c")

        pltpu.sync_copy(h_hbm.at[pl.ds(wid * PW, PW)], hidx)
        pltpu.sync_copy(t_hbm.at[pl.ds(wid * PW, PW)], tidx)
        pltpu.sync_copy(r_hbm.at[pl.ds(wid * PW, PW)], ridx)

        sems = (sem0, sem1)
        bufs = (hb, tb, rb)
        tabs = (ent_pk, ent_pk, rel_pk)
        idxs = (hidx, tidx, ridx)

        def start(g, slot):
            for buf, tab, ix in zip(bufs, tabs, idxs):
                pltpu.async_copy(
                    tab.at[ix.at[pl.ds(g * CP, CP)]], buf.at[slot],
                    sems[slot])

        def drain(slot):
            for buf in bufs:
                pltpu.make_async_copy(
                    ent_pk.at[pl.ds(0, CP)], buf.at[slot],
                    sems[slot]).wait()

        def bsum(v):
            for step in (8, 4, 2, 1):
                idx = lax.iota(jnp.int32, L) ^ step
                v = v + v.at[idx].get(mode="promise_in_bounds")
            return v

        def unpk(v):
            lo = plsc.bitcast(v << 16, jnp.float32)
            hi = plsc.bitcast(v & jnp.int32(-65536), jnp.float32)
            return lo, hi

        def pair_sv(slot, p):
            he, te, q = [], [], None
            for c in range(HV):
                hec, htc = unpk(hb[slot, p, pl.ds(c * L, L)])
                tec, ttc = unpk(tb[slot, p, pl.ds(c * L, L)])
                he.append(hec)
                te.append(tec)
                qc = hec * htc - tec * ttc
                q = qc if q is None else q + qc
            d = jnp.sum(q)
            s = None
            for c in range(HV):
                rtc, rec = unpk(rb[slot, p, pl.ds(c * L, L)])
                sc = jnp.abs(he[c] - te[c] + d * rtc + rec)
                s = sc if s is None else s + sc
            return s

        def compute(g, slot, partial):
            del g

            def row_body(rr, acc):
                base = rr * PAIRS
                ps = pair_sv(slot, base)

                def neg_body(k, nacc):
                    return nacc + pair_sv(slot, base + k)

                nacc = lax.fori_loop(
                    1, PAIRS, neg_body, jnp.zeros((L,), jnp.float32))
                z = bsum(ps) - bsum(nacc) * (1.0 / NEG) + MARGIN
                return acc + jnp.maximum(z, 0.0)

            return lax.fori_loop(0, CH_ROWS, row_body, partial)

        start(0, 0)

        def outer(i, partial):
            g = 2 * i
            start(g + 1, 1)
            drain(0)
            partial = compute(g, 0, partial)

            @pl.when(g + 2 < NCH)
            def _():
                start(g + 2, 0)

            drain(1)
            return compute(g + 1, 1, partial)

        partial = lax.fori_loop(0, NCH // 2, outer,
                                jnp.zeros((L,), jnp.float32))
        outv[...] = partial
        pltpu.sync_copy(outv, out_hbm.at[pl.ds(wid * L, L)])

    return sc_loss


_SC_LOSS = _sc_loss_call()


def _rnd16(v):
    i = jax.lax.bitcast_convert_type(v, jnp.int32)
    i = i + 0x7FFF + (jax.lax.shift_right_logical(i, 16) & 1)
    return i & jnp.int32(-65536)


def _pack(a, b):
    return jax.lax.shift_right_logical(_rnd16(a), 16) | _rnd16(b)


def kernel(pos_h, pos_t, pos_r, neg_h, neg_t, neg_r,
           ent_embeddings, rel_embeddings, ent_transfer, rel_transfer):
    ent_pk = _pack(ent_embeddings, ent_transfer)
    rel_pk = _pack(rel_transfer, rel_embeddings)
    h_idx = jnp.concatenate(
        [pos_h.astype(jnp.int32), neg_h.astype(jnp.int32)], axis=1).reshape(-1)
    t_idx = jnp.concatenate(
        [pos_t.astype(jnp.int32), neg_t.astype(jnp.int32)], axis=1).reshape(-1)
    r_idx = jnp.concatenate(
        [pos_r.astype(jnp.int32), neg_r.astype(jnp.int32)], axis=1).reshape(-1)
    partials = _SC_LOSS(h_idx, t_idx, r_idx, ent_pk, rel_pk)
    return jnp.sum(partials[::L])

# --- scband reference (transcript-rebuilt; emitter-appended) ---
"""Pipeline reference for scband-trans-d-54846732370325 (READ-ONLY COPY).

The authoritative reference and input builder live on the scoring server;
editing this copy changes nothing except your own understanding.
"""

import jax, jax.numpy as jnp
import numpy as np

ENT_TOTAL = 100000
REL_TOTAL = 1000
HIDDEN = 64
MARGIN = 1.0
B = 16384
NEG = 25


def setup_inputs(seed: int = 0) -> dict:
    key = jax.random.key(seed)
    ks = jax.random.split(key, 10)
    ent_embeddings = jax.random.normal(ks[0], (ENT_TOTAL, HIDDEN), dtype=jnp.float32) * 0.05
    rel_embeddings = jax.random.normal(ks[1], (REL_TOTAL, HIDDEN), dtype=jnp.float32) * 0.05
    ent_transfer = jax.random.normal(ks[2], (ENT_TOTAL, HIDDEN), dtype=jnp.float32) * 0.05
    rel_transfer = jax.random.normal(ks[3], (REL_TOTAL, HIDDEN), dtype=jnp.float32) * 0.05
    pos_h = jax.random.randint(ks[4], (B, 1), 0, ENT_TOTAL)
    pos_t = jax.random.randint(ks[5], (B, 1), 0, ENT_TOTAL)
    pos_r = jax.random.randint(ks[6], (B, 1), 0, REL_TOTAL)
    neg_h = jax.random.randint(ks[7], (B, NEG), 0, ENT_TOTAL)
    neg_t = jax.random.randint(ks[8], (B, NEG), 0, ENT_TOTAL)
    neg_r = jax.random.randint(ks[9], (B, NEG), 0, REL_TOTAL)
    return {
        "pos_h": pos_h, "pos_t": pos_t, "pos_r": pos_r,
        "neg_h": neg_h, "neg_t": neg_t, "neg_r": neg_r,
        "ent_embeddings": ent_embeddings, "rel_embeddings": rel_embeddings,
        "ent_transfer": ent_transfer, "rel_transfer": rel_transfer,
    }


def _transfer(e, t, r):
    # e + sum(e * t, axis=-1, keepdims=True) * r  (axis 1 in TF corresponds to hidden dim per-row)
    return e + jnp.sum(e * t, axis=-1, keepdims=True) * r


def _calc(h, t, r):
    return jnp.abs(h + r - t)


def reference(pos_h, pos_t, pos_r, neg_h, neg_t, neg_r,
              ent_embeddings, rel_embeddings, ent_transfer, rel_transfer):
    # embedding lookups (SparseCore gathers)
    pos_h_e = jnp.take(ent_embeddings, pos_h, axis=0)  # [B,1,H]
    pos_t_e = jnp.take(ent_embeddings, pos_t, axis=0)
    pos_r_e = jnp.take(rel_embeddings, pos_r, axis=0)
    neg_h_e = jnp.take(ent_embeddings, neg_h, axis=0)  # [B,NEG,H]
    neg_t_e = jnp.take(ent_embeddings, neg_t, axis=0)
    neg_r_e = jnp.take(rel_embeddings, neg_r, axis=0)
    pos_h_t = jnp.take(ent_transfer, pos_h, axis=0)
    pos_t_t = jnp.take(ent_transfer, pos_t, axis=0)
    pos_r_t = jnp.take(rel_transfer, pos_r, axis=0)
    neg_h_t = jnp.take(ent_transfer, neg_h, axis=0)
    neg_t_t = jnp.take(ent_transfer, neg_t, axis=0)
    neg_r_t = jnp.take(rel_transfer, neg_r, axis=0)

    p_h = _transfer(pos_h_e, pos_h_t, pos_r_t)
    p_t = _transfer(pos_t_e, pos_t_t, pos_r_t)
    p_r = pos_r_e
    n_h = _transfer(neg_h_e, neg_h_t, neg_r_t)
    n_t = _transfer(neg_t_e, neg_t_t, neg_r_t)
    n_r = neg_r_e

    _p_score = _calc(p_h, p_t, p_r)  # [B,1,H]
    _n_score = _calc(n_h, n_t, n_r)  # [B,NEG,H]

    p_score = jnp.sum(jnp.mean(_p_score, axis=1), axis=1, keepdims=True)  # [B,1]
    n_score = jnp.sum(jnp.mean(_n_score, axis=1), axis=1, keepdims=True)  # [B,1]

    loss = jnp.sum(jnp.maximum(p_score - n_score + MARGIN, 0.0))
    return loss

if __name__ == "__main__":
    import jax
    _d = setup_inputs()
    print(jax.jit(kernel)(*tuple(_d.values())))

</pallas_src>

<mosaic_0001>
#map = affine_map<(d0, d1) -> (0)>
#map1 = affine_map<(d0, d1) -> (0, 0)>
module attributes {stable_mosaic.version = 14 : i64} {
  func.func @sc_loss(%arg0: i32, %arg1: i32, %arg2: memref<425984xi32, #tpu.memory_space<hbm>>, %arg3: memref<425984xi32, #tpu.memory_space<hbm>>, %arg4: memref<425984xi32, #tpu.memory_space<hbm>>, %arg5: memref<100000x64xi32, #tpu.memory_space<hbm>>, %arg6: memref<1000x64xi32, #tpu.memory_space<hbm>>, %arg7: memref<512xf32, #tpu.memory_space<hbm>>, %arg8: memref<13312xi32, #tpu.memory_space<vmem>>, %arg9: memref<13312xi32, #tpu.memory_space<vmem>>, %arg10: memref<13312xi32, #tpu.memory_space<vmem>>, %arg11: memref<2x104x64xi32, #tpu.memory_space<vmem>>, %arg12: memref<2x104x64xi32, #tpu.memory_space<vmem>>, %arg13: memref<2x104x64xi32, #tpu.memory_space<vmem>>, %arg14: memref<16xf32, #tpu.memory_space<vmem>>, %arg15: memref<!tpu.dma_semaphore, #tpu.memory_space<semaphore_mem>>, %arg16: memref<!tpu.dma_semaphore, #tpu.memory_space<semaphore_mem>>) attributes {dimension_semantics = [#tpu.dimension_semantics<core_parallel>, #tpu.dimension_semantics<subcore_parallel>], iteration_bounds = array<i64: 2, 16>, scalar_prefetch = 0 : i64, scratch_operands = 9 : i64, tpu.core_type = #tpu.core_type<sc_vector_subcore>, window_params = [{transform_indices = #map}, {transform_indices = #map}, {transform_indices = #map}, {transform_indices = #map1}, {transform_indices = #map1}, {transform_indices = #map}]} {
    %mul3A = arith.constant 2 : i32
    %mul3A_0 = arith.muli %arg1, %mul3A : i32
    %add3A = arith.addi %mul3A_0, %arg0 : i32
    %mul3A_1 = arith.constant 13312 : i32
    %mul3A_2 = arith.muli %add3A, %mul3A_1 : i32
    "tpu.region"() ({
      %run_scoped3A = tpu.sem_alloc : memref<!tpu.dma_semaphore, #tpu.memory_space<semaphore_mem>>
      %dma_start3A_45 = tpu.memref_slice %arg2[%mul3A_2] : memref<425984xi32, #tpu.memory_space<hbm>> -> memref<13312xi32, #tpu.memory_space<hbm>>
      %dma_start3A_46 = tpu.memref_slice %arg2[%mul3A_2] : memref<425984xi32, #tpu.memory_space<hbm>> -> memref<13312xi32, #tpu.memory_space<hbm>>
      tpu.enqueue_dma source(%dma_start3A_46 : memref<13312xi32, #tpu.memory_space<hbm>>) target(%arg8 : memref<13312xi32, #tpu.memory_space<vmem>>) target_semaphore(%run_scoped3A : memref<!tpu.dma_semaphore, #tpu.memory_space<semaphore_mem>>)
      %dma_wait3A = tpu.memref_slice %arg2[%mul3A_2] : memref<425984xi32, #tpu.memory_space<hbm>> -> memref<13312xi32, #tpu.memory_space<hbm>>
      %dma_wait3A_47 = tpu.memref_slice %arg2[%mul3A_2] : memref<425984xi32, #tpu.memory_space<hbm>> -> memref<13312xi32, #tpu.memory_space<hbm>>
      tpu.wait_dma2 semaphore(%run_scoped3A : memref<!tpu.dma_semaphore, #tpu.memory_space<semaphore_mem>>) src(%dma_wait3A_47 : memref<13312xi32, #tpu.memory_space<hbm>>) dst(%arg8 : memref<13312xi32, #tpu.memory_space<vmem>>)
      tpu.yield
    }) : () -> ()
    %mul3A_3 = arith.constant 13312 : i32
    %mul3A_4 = arith.muli %add3A, %mul3A_3 : i32
    "tpu.region"() ({
      %run_scoped3A = tpu.sem_alloc : memref<!tpu.dma_semaphore, #tpu.memory_space<semaphore_mem>>
      %dma_start3A_45 = tpu.memref_slice %arg3[%mul3A_4] : memref<425984xi32, #tpu.memory_space<hbm>> -> memref<13312xi32, #tpu.memory_space<hbm>>
      %dma_start3A_46 = tpu.memref_slice %arg3[%mul3A_4] : memref<425984xi32, #tpu.memory_space<hbm>> -> memref<13312xi32, #tpu.memory_space<hbm>>
      tpu.enqueue_dma source(%dma_start3A_46 : memref<13312xi32, #tpu.memory_space<hbm>>) target(%arg9 : memref<13312xi32, #tpu.memory_space<vmem>>) target_semaphore(%run_scoped3A : memref<!tpu.dma_semaphore, #tpu.memory_space<semaphore_mem>>)
      %dma_wait3A = tpu.memref_slice %arg3[%mul3A_4] : memref<425984xi32, #tpu.memory_space<hbm>> -> memref<13312xi32, #tpu.memory_space<hbm>>
      %dma_wait3A_47 = tpu.memref_slice %arg3[%mul3A_4] : memref<425984xi32, #tpu.memory_space<hbm>> -> memref<13312xi32, #tpu.memory_space<hbm>>
      tpu.wait_dma2 semaphore(%run_scoped3A : memref<!tpu.dma_semaphore, #tpu.memory_space<semaphore_mem>>) src(%dma_wait3A_47 : memref<13312xi32, #tpu.memory_space<hbm>>) dst(%arg9 : memref<13312xi32, #tpu.memory_space<vmem>>)
      tpu.yield
    }) : () -> ()
    %mul3A_5 = arith.constant 13312 : i32
    %mul3A_6 = arith.muli %add3A, %mul3A_5 : i32
    "tpu.region"() ({
      %run_scoped3A = tpu.sem_alloc : memref<!tpu.dma_semaphore, #tpu.memory_space<semaphore_mem>>
      %dma_start3A_45 = tpu.memref_slice %arg4[%mul3A_6] : memref<425984xi32, #tpu.memory_space<hbm>> -> memref<13312xi32, #tpu.memory_space<hbm>>
      %dma_start3A_46 = tpu.memref_slice %arg4[%mul3A_6] : memref<425984xi32, #tpu.memory_space<hbm>> -> memref<13312xi32, #tpu.memory_space<hbm>>
      tpu.enqueue_dma source(%dma_start3A_46 : memref<13312xi32, #tpu.memory_space<hbm>>) target(%arg10 : memref<13312xi32, #tpu.memory_space<vmem>>) target_semaphore(%run_scoped3A : memref<!tpu.dma_semaphore, #tpu.memory_space<semaphore_mem>>)
      %dma_wait3A = tpu.memref_slice %arg4[%mul3A_6] : memref<425984xi32, #tpu.memory_space<hbm>> -> memref<13312xi32, #tpu.memory_space<hbm>>
      %dma_wait3A_47 = tpu.memref_slice %arg4[%mul3A_6] : memref<425984xi32, #tpu.memory_space<hbm>> -> memref<13312xi32, #tpu.memory_space<hbm>>
      tpu.wait_dma2 semaphore(%run_scoped3A : memref<!tpu.dma_semaphore, #tpu.memory_space<semaphore_mem>>) src(%dma_wait3A_47 : memref<13312xi32, #tpu.memory_space<hbm>>) dst(%arg10 : memref<13312xi32, #tpu.memory_space<vmem>>)
      tpu.yield
    }) : () -> ()
    %dma_start3A = arith.constant 0 : i32
    %dma_start3A_7 = arith.constant 0 : i32
    %dma_start3A_8 = arith.constant 0 : i32
    %dma_start3A_9 = tpu.memref_slice %arg11[%dma_start3A, %dma_start3A_7, %dma_start3A_8] : memref<2x104x64xi32, #tpu.memory_space<vmem>> -> memref<1x104x64xi32, #tpu.memory_space<vmem>>
    %dma_start3A_10 = tpu.memref_squeeze %dma_start3A_9 : memref<1x104x64xi32, #tpu.memory_space<vmem>> -> memref<104x64xi32, #tpu.memory_space<vmem>>
    %dma_start3A_11 = arith.constant 0 : i32
    %dma_start3A_12 = tpu.memref_slice %arg8[%dma_start3A_11] : memref<13312xi32, #tpu.memory_space<vmem>> -> memref<104xi32, #tpu.memory_space<vmem>>
    %dma_start3A_13 = arith.constant 0 : i32
    %dma_start3A_14 = arith.constant 0 : i32
    %dma_start3A_15 = tpu.memref_slice %arg5[%dma_start3A_13, %dma_start3A_14] : memref<100000x64xi32, #tpu.memory_space<hbm>> -> memref<100000x64xi32, #tpu.memory_space<hbm>>
    tpu.enqueue_indirect_dma source(%dma_start3A_15 : memref<100000x64xi32, #tpu.memory_space<hbm>>) target(%dma_start3A_10 : memref<104x64xi32, #tpu.memory_space<vmem>>) offsets(%dma_start3A_12 : memref<104xi32, #tpu.memory_space<vmem>>) semaphore(%arg15 : memref<!tpu.dma_semaphore, #tpu.memory_space<semaphore_mem>>)
    %dma_start3A_16 = arith.constant 0 : i32
    %dma_start3A_17 = arith.constant 0 : i32
    %dma_start3A_18 = arith.constant 0 : i32
    %dma_start3A_19 = tpu.memref_slice %arg12[%dma_start3A_16, %dma_start3A_17, %dma_start3A_18] : memref<2x104x64xi32, #tpu.memory_space<vmem>> -> memref<1x104x64xi32, #tpu.memory_space<vmem>>
    %dma_start3A_20 = tpu.memref_squeeze %dma_start3A_19 : memref<1x104x64xi32, #tpu.memory_space<vmem>> -> memref<104x64xi32, #tpu.memory_space<vmem>>
    %dma_start3A_21 = arith.constant 0 : i32
    %dma_start3A_22 = tpu.memref_slice %arg9[%dma_start3A_21] : memref<13312xi32, #tpu.memory_space<vmem>> -> memref<104xi32, #tpu.memory_space<vmem>>
    %dma_start3A_23 = arith.constant 0 : i32
    %dma_start3A_24 = arith.constant 0 : i32
    %dma_start3A_25 = tpu.memref_slice %arg5[%dma_start3A_23, %dma_start3A_24] : memref<100000x64xi32, #tpu.memory_space<hbm>> -> memref<100000x64xi32, #tpu.memory_space<hbm>>
    tpu.enqueue_indirect_dma source(%dma_start3A_25 : memref<100000x64xi32, #tpu.memory_space<hbm>>) target(%dma_start3A_20 : memref<104x64xi32, #tpu.memory_space<vmem>>) offsets(%dma_start3A_22 : memref<104xi32, #tpu.memory_space<vmem>>) semaphore(%arg15 : memref<!tpu.dma_semaphore, #tpu.memory_space<semaphore_mem>>)
    %dma_start3A_26 = arith.constant 0 : i32
    %dma_start3A_27 = arith.constant 0 : i32
    %dma_start3A_28 = arith.constant 0 : i32
    %dma_start3A_29 = tpu.memref_slice %arg13[%dma_start3A_26, %dma_start3A_27, %dma_start3A_28] : memref<2x104x64xi32, #tpu.memory_space<vmem>> -> memref<1x104x64xi32, #tpu.memory_space<vmem>>
    %dma_start3A_30 = tpu.memref_squeeze %dma_start3A_29 : memref<1x104x64xi32, #tpu.memory_space<vmem>> -> memref<104x64xi32, #tpu.memory_space<vmem>>
    %dma_start3A_31 = arith.constant 0 : i32
    %dma_start3A_32 = tpu.memref_slice %arg10[%dma_start3A_31] : memref<13312xi32, #tpu.memory_space<vmem>> -> memref<104xi32, #tpu.memory_space<vmem>>
    %dma_start3A_33 = arith.constant 0 : i32
    %dma_start3A_34 = arith.constant 0 : i32
    %dma_start3A_35 = tpu.memref_slice %arg6[%dma_start3A_33, %dma_start3A_34] : memref<1000x64xi32, #tpu.memory_space<hbm>> -> memref<1000x64xi32, #tpu.memory_space<hbm>>
    tpu.enqueue_indirect_dma source(%dma_start3A_35 : memref<1000x64xi32, #tpu.memory_space<hbm>>) target(%dma_start3A_30 : memref<104x64xi32, #tpu.memory_space<vmem>>) offsets(%dma_start3A_32 : memref<104xi32, #tpu.memory_space<vmem>>) semaphore(%arg15 : memref<!tpu.dma_semaphore, #tpu.memory_space<semaphore_mem>>)
    %broadcast_in_dim3A = arith.constant 0.000000e+00 : f32
    %broadcast_in_dim3A_36 = vector.broadcast %broadcast_in_dim3A : f32 to vector<16xf32>
    %scan3A = arith.constant 0 : i32
    %scan3A_37 = arith.constant 64 : i32
    %scan3A_38 = arith.addi %scan3A, %scan3A_37 : i32
    %scan3A_39 = arith.constant 1 : i32
    %scan3A_40 = scf.for %scan3A_45 = %scan3A to %scan3A_38 step %scan3A_39 iter_args(%scan3A_46 = %broadcast_in_dim3A_36) -> (vector<16xf32>)  : i32 {
      %mul3A_47 = arith.constant 2 : i32
      %mul3A_48 = arith.muli %mul3A_47, %scan3A_45 : i32
      %add3A_49 = arith.constant 1 : i32
      %add3A_50 = arith.addi %mul3A_48, %add3A_49 : i32
      %mul3A_51 = arith.constant 104 : i32
      %mul3A_52 = arith.muli %add3A_50, %mul3A_51 : i32
      %dma_start3A_53 = arith.constant 1 : i32
      %dma_start3A_54 = arith.constant 0 : i32
      %dma_start3A_55 = arith.constant 0 : i32
      %dma_start3A_56 = tpu.memref_slice %arg11[%dma_start3A_53, %dma_start3A_54, %dma_start3A_55] : memref<2x104x64xi32, #tpu.memory_space<vmem>> -> memref<1x104x64xi32, #tpu.memory_space<vmem>>
      %dma_start3A_57 = tpu.memref_squeeze %dma_start3A_56 : memref<1x104x64xi32, #tpu.memory_space<vmem>> -> memref<104x64xi32, #tpu.memory_space<vmem>>
      %dma_start3A_58 = tpu.memref_slice %arg8[%mul3A_52] : memref<13312xi32, #tpu.memory_space<vmem>> -> memref<104xi32, #tpu.memory_space<vmem>>
      %dma_start3A_59 = arith.constant 0 : i32
      %dma_start3A_60 = arith.constant 0 : i32
      %dma_start3A_61 = tpu.memref_slice %arg5[%dma_start3A_59, %dma_start3A_60] : memref<100000x64xi32, #tpu.memory_space<hbm>> -> memref<100000x64xi32, #tpu.memory_space<hbm>>
      tpu.enqueue_indirect_dma source(%dma_start3A_61 : memref<100000x64xi32, #tpu.memory_space<hbm>>) target(%dma_start3A_57 : memref<104x64xi32, #tpu.memory_space<vmem>>) offsets(%dma_start3A_58 : memref<104xi32, #tpu.memory_space<vmem>>) semaphore(%arg16 : memref<!tpu.dma_semaphore, #tpu.memory_space<semaphore_mem>>)
      %mul3A_62 = arith.constant 104 : i32
      %mul3A_63 = arith.muli %add3A_50, %mul3A_62 : i32
      %dma_start3A_64 = arith.constant 1 : i32
      %dma_start3A_65 = arith.constant 0 : i32
      %dma_start3A_66 = arith.constant 0 : i32
      %dma_start3A_67 = tpu.memref_slice %arg12[%dma_start3A_64, %dma_start3A_65, %dma_start3A_66] : memref<2x104x64xi32, #tpu.memory_space<vmem>> -> memref<1x104x64xi32, #tpu.memory_space<vmem>>
      %dma_start3A_68 = tpu.memref_squeeze %dma_start3A_67 : memref<1x104x64xi32, #tpu.memory_space<vmem>> -> memref<104x64xi32, #tpu.memory_space<vmem>>
      %dma_start3A_69 = tpu.memref_slice %arg9[%mul3A_63] : memref<13312xi32, #tpu.memory_space<vmem>> -> memref<104xi32, #tpu.memory_space<vmem>>
      %dma_start3A_70 = arith.constant 0 : i32
      %dma_start3A_71 = arith.constant 0 : i32
      %dma_start3A_72 = tpu.memref_slice %arg5[%dma_start3A_70, %dma_start3A_71] : memref<100000x64xi32, #tpu.memory_space<hbm>> -> memref<100000x64xi32, #tpu.memory_space<hbm>>
      tpu.enqueue_indirect_dma source(%dma_start3A_72 : memref<100000x64xi32, #tpu.memory_space<hbm>>) target(%dma_start3A_68 : memref<104x64xi32, #tpu.memory_space<vmem>>) offsets(%dma_start3A_69 : memref<104xi32, #tpu.memory_space<vmem>>) semaphore(%arg16 : memref<!tpu.dma_semaphore, #tpu.memory_space<semaphore_mem>>)
      %mul3A_73 = arith.constant 104 : i32
      %mul3A_74 = arith.muli %add3A_50, %mul3A_73 : i32
      %dma_start3A_75 = arith.constant 1 : i32
      %dma_start3A_76 = arith.constant 0 : i32
      %dma_start3A_77 = arith.constant 0 : i32
      %dma_start3A_78 = tpu.memref_slice %arg13[%dma_start3A_75, %dma_start3A_76, %dma_start3A_77] : memref<2x104x64xi32, #tpu.memory_space<vmem>> -> memref<1x104x64xi32, #tpu.memory_space<vmem>>
      %dma_start3A_79 = tpu.memref_squeeze %dma_start3A_78 : memref<1x104x64xi32, #tpu.memory_space<vmem>> -> memref<104x64xi32, #tpu.memory_space<vmem>>
      %dma_start3A_80 = tpu.memref_slice %arg10[%mul3A_74] : memref<13312xi32, #tpu.memory_space<vmem>> -> memref<104xi32, #tpu.memory_space<vmem>>
      %dma_start3A_81 = arith.constant 0 : i32
      %dma_start3A_82 = arith.constant 0 : i32
      %dma_start3A_83 = tpu.memref_slice %arg6[%dma_start3A_81, %dma_start3A_82] : memref<1000x64xi32, #tpu.memory_space<hbm>> -> memref<1000x64xi32, #tpu.memory_space<hbm>>
      tpu.enqueue_indirect_dma source(%dma_start3A_83 : memref<1000x64xi32, #tpu.memory_space<hbm>>) target(%dma_start3A_79 : memref<104x64xi32, #tpu.memory_space<vmem>>) offsets(%dma_start3A_80 : memref<104xi32, #tpu.memory_space<vmem>>) semaphore(%arg16 : memref<!tpu.dma_semaphore, #tpu.memory_space<semaphore_mem>>)
      %dma_wait3A = arith.constant 0 : i32
      %dma_wait3A_84 = arith.constant 0 : i32
      %dma_wait3A_85 = arith.constant 0 : i32
      %dma_wait3A_86 = tpu.memref_slice %arg11[%dma_wait3A, %dma_wait3A_84, %dma_wait3A_85] : memref<2x104x64xi32, #tpu.memory_space<vmem>> -> memref<1x104x64xi32, #tpu.memory_space<vmem>>
      %dma_wait3A_87 = tpu.memref_squeeze %dma_wait3A_86 : memref<1x104x64xi32, #tpu.memory_space<vmem>> -> memref<104x64xi32, #tpu.memory_space<vmem>>
      %dma_wait3A_88 = arith.constant 0 : i32
      %dma_wait3A_89 = arith.constant 0 : i32
      %dma_wait3A_90 = tpu.memref_slice %arg5[%dma_wait3A_88, %dma_wait3A_89] : memref<100000x64xi32, #tpu.memory_space<hbm>> -> memref<104x64xi32, #tpu.memory_space<hbm>>
      %dma_wait3A_91 = arith.constant 0 : i32
      %dma_wait3A_92 = arith.constant 0 : i32
      %dma_wait3A_93 = tpu.memref_slice %arg11[%dma_wait3A, %dma_wait3A_91, %dma_wait3A_92] : memref<2x104x64xi32, #tpu.memory_space<vmem>> -> memref<1x104x64xi32, #tpu.memory_space<vmem>>
      %dma_wait3A_94 = tpu.memref_squeeze %dma_wait3A_93 : memref<1x104x64xi32, #tpu.memory_space<vmem>> -> memref<104x64xi32, #tpu.memory_space<vmem>>
      %dma_wait3A_95 = arith.constant 0 : i32
      %dma_wait3A_96 = arith.constant 0 : i32
      %dma_wait3A_97 = tpu.memref_slice %arg5[%dma_wait3A_95, %dma_wait3A_96] : memref<100000x64xi32, #tpu.memory_space<hbm>> -> memref<104x64xi32, #tpu.memory_space<hbm>>
      tpu.wait_dma2 semaphore(%arg15 : memref<!tpu.dma_semaphore, #tpu.memory_space<semaphore_mem>>) src(%dma_wait3A_97 : memref<104x64xi32, #tpu.memory_space<hbm>>) dst(%dma_wait3A_94 : memref<104x64xi32, #tpu.memory_space<vmem>>)
      %dma_wait3A_98 = arith.constant 0 : i32
      %dma_wait3A_99 = arith.constant 0 : i32
      %dma_wait3A_100 = arith.constant 0 : i32
      %dma_wait3A_101 = tpu.memref_slice %arg12[%dma_wait3A_98, %dma_wait3A_99, %dma_wait3A_100] : memref<2x104x64xi32, #tpu.memory_space<vmem>> -> memref<1x104x64xi32, #tpu.memory_space<vmem>>
      %dma_wait3A_102 = tpu.memref_squeeze %dma_wait3A_101 : memref<1x104x64xi32, #tpu.memory_space<vmem>> -> memref<104x64xi32, #tpu.memory_space<vmem>>
      %dma_wait3A_103 = arith.constant 0 : i32
      %dma_wait3A_104 = arith.constant 0 : i32
      %dma_wait3A_105 = tpu.memref_slice %arg5[%dma_wait3A_103, %dma_wait3A_104] : memref<100000x64xi32, #tpu.memory_space<hbm>> -> memref<104x64xi32, #tpu.memory_space<hbm>>
      %dma_wait3A_106 = arith.constant 0 : i32
      %dma_wait3A_107 = arith.constant 0 : i32
      %dma_wait3A_108 = tpu.memref_slice %arg12[%dma_wait3A_98, %dma_wait3A_106, %dma_wait3A_107] : memref<2x104x64xi32, #tpu.memory_space<vmem>> -> memref<1x104x64xi32, #tpu.memory_space<vmem>>
      %dma_wait3A_109 = tpu.memref_squeeze %dma_wait3A_108 : memref<1x104x64xi32, #tpu.memory_space<vmem>> -> memref<104x64xi32, #tpu.memory_space<vmem>>
      %dma_wait3A_110 = arith.constant 0 : i32
      %dma_wait3A_111 = arith.constant 0 : i32
      %dma_wait3A_112 = tpu.memref_slice %arg5[%dma_wait3A_110, %dma_wait3A_111] : memref<100000x64xi32, #tpu.memory_space<hbm>> -> memref<104x64xi32, #tpu.memory_space<hbm>>
      tpu.wait_dma2 semaphore(%arg15 : memref<!tpu.dma_semaphore, #tpu.memory_space<semaphore_mem>>) src(%dma_wait3A_112 : memref<104x64xi32, #tpu.memory_space<hbm>>) dst(%dma_wait3A_109 : memref<104x64xi32, #tpu.memory_space<vmem>>)
      %dma_wait3A_113 = arith.constant 0 : i32
      %dma_wait3A_114 = arith.constant 0 : i32
      %dma_wait3A_115 = arith.constant 0 : i32
      %dma_wait3A_116 = tpu.memref_slice %arg13[%dma_wait3A_113, %dma_wait3A_114, %dma_wait3A_115] : memref<2x104x64xi32, #tpu.memory_space<vmem>> -> memref<1x104x64xi32, #tpu.memory_space<vmem>>
      %dma_wait3A_117 = tpu.memref_squeeze %dma_wait3A_116 : memref<1x104x64xi32, #tpu.memory_space<vmem>> -> memref<104x64xi32, #tpu.memory_space<vmem>>
      %dma_wait3A_118 = arith.constant 0 : i32
      %dma_wait3A_119 = arith.constant 0 : i32
      %dma_wait3A_120 = tpu.memref_slice %arg5[%dma_wait3A_118, %dma_wait3A_119] : memref<100000x64xi32, #tpu.memory_space<hbm>> -> memref<104x64xi32, #tpu.memory_space<hbm>>
      %dma_wait3A_121 = arith.constant 0 : i32
      %dma_wait3A_122 = arith.constant 0 : i32
      %dma_wait3A_123 = tpu.memref_slice %arg13[%dma_wait3A_113, %dma_wait3A_121, %dma_wait3A_122] : memref<2x104x64xi32, #tpu.memory_space<vmem>> -> memref<1x104x64xi32, #tpu.memory_space<vmem>>
      %dma_wait3A_124 = tpu.memref_squeeze %dma_wait3A_123 : memref<1x104x64xi32, #tpu.memory_space<vmem>> -> memref<104x64xi32, #tpu.memory_space<vmem>>
      %dma_wait3A_125 = arith.constant 0 : i32
      %dma_wait3A_126 = arith.constant 0 : i32
      %dma_wait3A_127 = tpu.memref_slice %arg5[%dma_wait3A_125, %dma_wait3A_126] : memref<100000x64xi32, #tpu.memory_space<hbm>> -> memref<104x64xi32, #tpu.memory_space<hbm>>
      tpu.wait_dma2 semaphore(%arg15 : memref<!tpu.dma_semaphore, #tpu.memory_space<semaphore_mem>>) src(%dma_wait3A_127 : memref<104x64xi32, #tpu.memory_space<hbm>>) dst(%dma_wait3A_124 : memref<104x64xi32, #tpu.memory_space<vmem>>)
      %scan3A_128 = arith.constant 0 : i32
      %scan3A_129 = arith.constant 4 : i32
      %scan3A_130 = arith.addi %scan3A_128, %scan3A_129 : i32
      %scan3A_131 = arith.constant 1 : i32
      %scan3A_132 = scf.for %scan3A_191 = %scan3A_128 to %scan3A_130 step %scan3A_131 iter_args(%scan3A_192 = %scan3A_46) -> (vector<16xf32>)  : i32 {
        %mul3A_193 = arith.constant 26 : i32
        %mul3A_194 = arith.muli %scan3A_191, %mul3A_193 : i32
        %get3A = arith.constant 0 : i32
        %get3A_195 = arith.index_cast %get3A : i32 to index
        %get3A_196 = arith.index_cast %mul3A_194 : i32 to index
        %get3A_197 = arith.constant 0 : index
        %get3A_198 = tpu.vector_load %arg11[%get3A_195, %get3A_196, %get3A_197] {strides = array<i32>} : memref<2x104x64xi32, #tpu.memory_space<vmem>>, vector<16xi32>,
        %shift_left3A = arith.constant 16 : i32
        %shift_left3A_199 = vector.broadcast %shift_left3A : i32 to vector<16xi32>
        %shift_left3A_200 = arith.shli %get3A_198, %shift_left3A_199 : vector<16xi32>
        %bitcast3A = vector.bitcast %shift_left3A_200 : vector<16xi32> to vector<16xf32>
        %and3A = arith.constant -65536 : i32
        %and3A_201 = vector.broadcast %and3A : i32 to vector<16xi32>
        %and3A_202 = arith.andi %get3A_198, %and3A_201 : vector<16xi32>
        %bitcast3A_203 = vector.bitcast %and3A_202 : vector<16xi32> to vector<16xf32>
        %get3A_204 = arith.constant 0 : i32
        %get3A_205 = arith.index_cast %get3A_204 : i32 to index
        %get3A_206 = arith.index_cast %mul3A_194 : i32 to index
        %get3A_207 = arith.constant 0 : index
        %get3A_208 = tpu.vector_load %arg12[%get3A_205, %get3A_206, %get3A_207] {strides = array<i32>} : memref<2x104x64xi32, #tpu.memory_space<vmem>>, vector<16xi32>,
        %shift_left3A_209 = arith.constant 16 : i32
        %shift_left3A_210 = vector.broadcast %shift_left3A_209 : i32 to vector<16xi32>
        %shift_left3A_211 = arith.shli %get3A_208, %shift_left3A_210 : vector<16xi32>
        %bitcast3A_212 = vector.bitcast %shift_left3A_211 : vector<16xi32> to vector<16xf32>
        %and3A_213 = arith.constant -65536 : i32
        %and3A_214 = vector.broadcast %and3A_213 : i32 to vector<16xi32>
        %and3A_215 = arith.andi %get3A_208, %and3A_214 : vector<16xi32>
        %bitcast3A_216 = vector.bitcast %and3A_215 : vector<16xi32> to vector<16xf32>
        %mul3A_217 = arith.mulf %bitcast3A, %bitcast3A_203 : vector<16xf32>
        %mul3A_218 = arith.mulf %bitcast3A_212, %bitcast3A_216 : vector<16xf32>
        %sub3A = arith.subf %mul3A_217, %mul3A_218 : vector<16xf32>
        %get3A_219 = arith.constant 0 : i32
        %get3A_220 = arith.index_cast %get3A_219 : i32 to index
        %get3A_221 = arith.index_cast %mul3A_194 : i32 to index
        %get3A_222 = arith.constant 16 : index
        %get3A_223 = tpu.vector_load %arg11[%get3A_220, %get3A_221, %get3A_222] {strides = array<i32>} : memref<2x104x64xi32, #tpu.memory_space<vmem>>, vector<16xi32>,
        %shift_left3A_224 = arith.constant 16 : i32
        %shift_left3A_225 = vector.broadcast %shift_left3A_224 : i32 to vector<16xi32>
        %shift_left3A_226 = arith.shli %get3A_223, %shift_left3A_225 : vector<16xi32>
        %bitcast3A_227 = vector.bitcast %shift_left3A_226 : vector<16xi32> to vector<16xf32>
        %and3A_228 = arith.constant -65536 : i32
        %and3A_229 = vector.broadcast %and3A_228 : i32 to vector<16xi32>
        %and3A_230 = arith.andi %get3A_223, %and3A_229 : vector<16xi32>
        %bitcast3A_231 = vector.bitcast %and3A_230 : vector<16xi32> to vector<16xf32>
        %get3A_232 = arith.constant 0 : i32
        %get3A_233 = arith.index_cast %get3A_232 : i32 to index
        %get3A_234 = arith.index_cast %mul3A_194 : i32 to index
        %get3A_235 = arith.constant 16 : index
        %get3A_236 = tpu.vector_load %arg12[%get3A_233, %get3A_234, %get3A_235] {strides = array<i32>} : memref<2x104x64xi32, #tpu.memory_space<vmem>>, vector<16xi32>,
        %shift_left3A_237 = arith.constant 16 : i32
        %shift_left3A_238 = vector.broadcast %shift_left3A_237 : i32 to vector<16xi32>
        %shift_left3A_239 = arith.shli %get3A_236, %shift_left3A_238 : vector<16xi32>
        %bitcast3A_240 = vector.bitcast %shift_left3A_239 : vector<16xi32> to vector<16xf32>
        %and3A_241 = arith.constant -65536 : i32
        %and3A_242 = vector.broadcast %and3A_241 : i32 to vector<16xi32>
        %and3A_243 = arith.andi %get3A_236, %and3A_242 : vector<16xi32>
        %bitcast3A_244 = vector.bitcast %and3A_243 : vector<16xi32> to vector<16xf32>
        %mul3A_245 = arith.mulf %bitcast3A_227, %bitcast3A_231 : vector<16xf32>
        %mul3A_246 = arith.mulf %bitcast3A_240, %bitcast3A_244 : vector<16xf32>
        %sub3A_247 = arith.subf %mul3A_245, %mul3A_246 : vector<16xf32>
        %add3A_248 = arith.addf %sub3A, %sub3A_247 : vector<16xf32>
        %get3A_249 = arith.constant 0 : i32
        %get3A_250 = arith.index_cast %get3A_249 : i32 to index
        %get3A_251 = arith.index_cast %mul3A_194 : i32 to index
        %get3A_252 = arith.constant 32 : index
        %get3A_253 = tpu.vector_load %arg11[%get3A_250, %get3A_251, %get3A_252] {strides = array<i32>} : memref<2x104x64xi32, #tpu.memory_space<vmem>>, vector<16xi32>,
        %shift_left3A_254 = arith.constant 16 : i32
        %shift_left3A_255 = vector.broadcast %shift_left3A_254 : i32 to vector<16xi32>
        %shift_left3A_256 = arith.shli %get3A_253, %shift_left3A_255 : vector<16xi32>
        %bitcast3A_257 = vector.bitcast %shift_left3A_256 : vector<16xi32> to vector<16xf32>
        %and3A_258 = arith.constant -65536 : i32
        %and3A_259 = vector.broadcast %and3A_258 : i32 to vector<16xi32>
        %and3A_260 = arith.andi %get3A_253, %and3A_259 : vector<16xi32>
        %bitcast3A_261 = vector.bitcast %and3A_260 : vector<16xi32> to vector<16xf32>
        %get3A_262 = arith.constant 0 : i32
        %get3A_263 = arith.index_cast %get3A_262 : i32 to index
        %get3A_264 = arith.index_cast %mul3A_194 : i32 to index
        %get3A_265 = arith.constant 32 : index
        %get3A_266 = tpu.vector_load %arg12[%get3A_263, %get3A_264, %get3A_265] {strides = array<i32>} : memref<2x104x64xi32, #tpu.memory_space<vmem>>, vector<16xi32>,
        %shift_left3A_267 = arith.constant 16 : i32
        %shift_left3A_268 = vector.broadcast %shift_left3A_267 : i32 to vector<16xi32>
        %shift_left3A_269 = arith.shli %get3A_266, %shift_left3A_268 : vector<16xi32>
        %bitcast3A_270 = vector.bitcast %shift_left3A_269 : vector<16xi32> to vector<16xf32>
        %and3A_271 = arith.constant -65536 : i32
        %and3A_272 = vector.broadcast %and3A_271 : i32 to vector<16xi32>
        %and3A_273 = arith.andi %get3A_266, %and3A_272 : vector<16xi32>
        %bitcast3A_274 = vector.bitcast %and3A_273 : vector<16xi32> to vector<16xf32>
        %mul3A_275 = arith.mulf %bitcast3A_257, %bitcast3A_261 : vector<16xf32>
        %mul3A_276 = arith.mulf %bitcast3A_270, %bitcast3A_274 : vector<16xf32>
        %sub3A_277 = arith.subf %mul3A_275, %mul3A_276 : vector<16xf32>
        %add3A_278 = arith.addf %add3A_248, %sub3A_277 : vector<16xf32>
        %get3A_279 = arith.constant 0 : i32
        %get3A_280 = arith.index_cast %get3A_279 : i32 to index
        %get3A_281 = arith.index_cast %mul3A_194 : i32 to index
        %get3A_282 = arith.constant 48 : index
        %get3A_283 = tpu.vector_load %arg11[%get3A_280, %get3A_281, %get3A_282] {strides = array<i32>} : memref<2x104x64xi32, #tpu.memory_space<vmem>>, vector<16xi32>,
        %shift_left3A_284 = arith.constant 16 : i32
        %shift_left3A_285 = vector.broadcast %shift_left3A_284 : i32 to vector<16xi32>
        %shift_left3A_286 = arith.shli %get3A_283, %shift_left3A_285 : vector<16xi32>
        %bitcast3A_287 = vector.bitcast %shift_left3A_286 : vector<16xi32> to vector<16xf32>
        %and3A_288 = arith.constant -65536 : i32
        %and3A_289 = vector.broadcast %and3A_288 : i32 to vector<16xi32>
        %and3A_290 = arith.andi %get3A_283, %and3A_289 : vector<16xi32>
        %bitcast3A_291 = vector.bitcast %and3A_290 : vector<16xi32> to vector<16xf32>
        %get3A_292 = arith.constant 0 : i32
        %get3A_293 = arith.index_cast %get3A_292 : i32 to index
        %get3A_294 = arith.index_cast %mul3A_194 : i32 to index
        %get3A_295 = arith.constant 48 : index
        %get3A_296 = tpu.vector_load %arg12[%get3A_293, %get3A_294, %get3A_295] {strides = array<i32>} : memref<2x104x64xi32, #tpu.memory_space<vmem>>, vector<16xi32>,
        %shift_left3A_297 = arith.constant 16 : i32
        %shift_left3A_298 = vector.broadcast %shift_left3A_297 : i32 to vector<16xi32>
        %shift_left3A_299 = arith.shli %get3A_296, %shift_left3A_298 : vector<16xi32>
        %bitcast3A_300 = vector.bitcast %shift_left3A_299 : vector<16xi32> to vector<16xf32>
        %and3A_301 = arith.constant -65536 : i32
        %and3A_302 = vector.broadcast %and3A_301 : i32 to vector<16xi32>
        %and3A_303 = arith.andi %get3A_296, %and3A_302 : vector<16xi32>
        %bitcast3A_304 = vector.bitcast %and3A_303 : vector<16xi32> to vector<16xf32>
        %mul3A_305 = arith.mulf %bitcast3A_287, %bitcast3A_291 : vector<16xf32>
        %mul3A_306 = arith.mulf %bitcast3A_300, %bitcast3A_304 : vector<16xf32>
        %sub3A_307 = arith.subf %mul3A_305, %mul3A_306 : vector<16xf32>
        %add3A_308 = arith.addf %add3A_278, %sub3A_307 : vector<16xf32>
        %reduce_sum3A = arith.constant true
        %reduce_sum3A_309 = vector.broadcast %reduce_sum3A : i1 to vector<16xi1>
        %reduce_sum3A_310 = tpu.scan <sum>, %add3A_308 masked %reduce_sum3A_309 : vector<16xf32>, vector<16xi1> -> vector<16xf32>
        %reduce_sum3A_311 = vector.extract %reduce_sum3A_310[15] : f32 from vector<16xf32>
        %get3A_312 = arith.constant 0 : i32
        %get3A_313 = arith.index_cast %get3A_312 : i32 to index
        %get3A_314 = arith.index_cast %mul3A_194 : i32 to index
        %get3A_315 = arith.constant 0 : index
        %get3A_316 = tpu.vector_load %arg13[%get3A_313, %get3A_314, %get3A_315] {strides = array<i32>} : memref<2x104x64xi32, #tpu.memory_space<vmem>>, vector<16xi32>,
        %shift_left3A_317 = arith.constant 16 : i32
        %shift_left3A_318 = vector.broadcast %shift_left3A_317 : i32 to vector<16xi32>
        %shift_left3A_319 = arith.shli %get3A_316, %shift_left3A_318 : vector<16xi32>
        %bitcast3A_320 = vector.bitcast %shift_left3A_319 : vector<16xi32> to vector<16xf32>
        %and3A_321 = arith.constant -65536 : i32
        %and3A_322 = vector.broadcast %and3A_321 : i32 to vector<16xi32>
        %and3A_323 = arith.andi %get3A_316, %and3A_322 : vector<16xi32>
        %bitcast3A_324 = vector.bitcast %and3A_323 : vector<16xi32> to vector<16xf32>
        %sub3A_325 = arith.subf %bitcast3A, %bitcast3A_212 : vector<16xf32>
        %mul3A_326 = vector.broadcast %reduce_sum3A_311 : f32 to vector<16xf32>
        %mul3A_327 = arith.mulf %mul3A_326, %bitcast3A_320 : vector<16xf32>
        %add3A_328 = arith.addf %sub3A_325, %mul3A_327 : vector<16xf32>
        %add3A_329 = arith.addf %add3A_328, %bitcast3A_324 : vector<16xf32>
        %abs3A = math.absf %add3A_329 : vector<16xf32>
        %get3A_330 = arith.constant 0 : i32
        %get3A_331 = arith.index_cast %get3A_330 : i32 to index
        %get3A_332 = arith.index_cast %mul3A_194 : i32 to index
        %get3A_333 = arith.constant 16 : index
        %get3A_334 = tpu.vector_load %arg13[%get3A_331, %get3A_332, %get3A_333] {strides = array<i32>} : memref<2x104x64xi32, #tpu.memory_space<vmem>>, vector<16xi32>,
        %shift_left3A_335 = arith.constant 16 : i32
        %shift_left3A_336 = vector.broadcast %shift_left3A_335 : i32 to vector<16xi32>
        %shift_left3A_337 = arith.shli %get3A_334, %shift_left3A_336 : vector<16xi32>
        %bitcast3A_338 = vector.bitcast %shift_left3A_337 : vector<16xi32> to vector<16xf32>
        %and3A_339 = arith.constant -65536 : i32
        %and3A_340 = vector.broadcast %and3A_339 : i32 to vector<16xi32>
        %and3A_341 = arith.andi %get3A_334, %and3A_340 : vector<16xi32>
        %bitcast3A_342 = vector.bitcast %and3A_341 : vector<16xi32> to vector<16xf32>
        %sub3A_343 = arith.subf %bitcast3A_227, %bitcast3A_240 : vector<16xf32>
        %mul3A_344 = vector.broadcast %reduce_sum3A_311 : f32 to vector<16xf32>
        %mul3A_345 = arith.mulf %mul3A_344, %bitcast3A_338 : vector<16xf32>
        %add3A_346 = arith.addf %sub3A_343, %mul3A_345 : vector<16xf32>
        %add3A_347 = arith.addf %add3A_346, %bitcast3A_342 : vector<16xf32>
        %abs3A_348 = math.absf %add3A_347 : vector<16xf32>
        %add3A_349 = arith.addf %abs3A, %abs3A_348 : vector<16xf32>
        %get3A_350 = arith.constant 0 : i32
        %get3A_351 = arith.index_cast %get3A_350 : i32 to index
        %get3A_352 = arith.index_cast %mul3A_194 : i32 to index
        %get3A_353 = arith.constant 32 : index
        %get3A_354 = tpu.vector_load %arg13[%get3A_351, %get3A_352, %get3A_353] {strides = array<i32>} : memref<2x104x64xi32, #tpu.memory_space<vmem>>, vector<16xi32>,
        %shift_left3A_355 = arith.constant 16 : i32
        %shift_left3A_356 = vector.broadcast %shift_left3A_355 : i32 to vector<16xi32>
        %shift_left3A_357 = arith.shli %get3A_354, %shift_left3A_356 : vector<16xi32>
        %bitcast3A_358 = vector.bitcast %shift_left3A_357 : vector<16xi32> to vector<16xf32>
        %and3A_359 = arith.constant -65536 : i32
        %and3A_360 = vector.broadcast %and3A_359 : i32 to vector<16xi32>
        %and3A_361 = arith.andi %get3A_354, %and3A_360 : vector<16xi32>
        %bitcast3A_362 = vector.bitcast %and3A_361 : vector<16xi32> to vector<16xf32>
        %sub3A_363 = arith.subf %bitcast3A_257, %bitcast3A_270 : vector<16xf32>
        %mul3A_364 = vector.broadcast %reduce_sum3A_311 : f32 to vector<16xf32>
        %mul3A_365 = arith.mulf %mul3A_364, %bitcast3A_358 : vector<16xf32>
        %add3A_366 = arith.addf %sub3A_363, %mul3A_365 : vector<16xf32>
        %add3A_367 = arith.addf %add3A_366, %bitcast3A_362 : vector<16xf32>
        %abs3A_368 = math.absf %add3A_367 : vector<16xf32>
        %add3A_369 = arith.addf %add3A_349, %abs3A_368 : vector<16xf32>
        %get3A_370 = arith.constant 0 : i32
        %get3A_371 = arith.index_cast %get3A_370 : i32 to index
        %get3A_372 = arith.index_cast %mul3A_194 : i32 to index
        %get3A_373 = arith.constant 48 : index
        %get3A_374 = tpu.vector_load %arg13[%get3A_371, %get3A_372, %get3A_373] {strides = array<i32>} : memref<2x104x64xi32, #tpu.memory_space<vmem>>, vector<16xi32>,
        %shift_left3A_375 = arith.constant 16 : i32
        %shift_left3A_376 = vector.broadcast %shift_left3A_375 : i32 to vector<16xi32>
        %shift_left3A_377 = arith.shli %get3A_374, %shift_left3A_376 : vector<16xi32>
        %bitcast3A_378 = vector.bitcast %shift_left3A_377 : vector<16xi32> to vector<16xf32>
        %and3A_379 = arith.constant -65536 : i32
        %and3A_380 = vector.broadcast %and3A_379 : i32 to vector<16xi32>
        %and3A_381 = arith.andi %get3A_374, %and3A_380 : vector<16xi32>
        %bitcast3A_382 = vector.bitcast %and3A_381 : vector<16xi32> to vector<16xf32>
        %sub3A_383 = arith.subf %bitcast3A_287, %bitcast3A_300 : vector<16xf32>
        %mul3A_384 = vector.broadcast %reduce_sum3A_311 : f32 to vector<16xf32>
        %mul3A_385 = arith.mulf %mul3A_384, %bitcast3A_378 : vector<16xf32>
        %add3A_386 = arith.addf %sub3A_383, %mul3A_385 : vector<16xf32>
        %add3A_387 = arith.addf %add3A_386, %bitcast3A_382 : vector<16xf32>
        %abs3A_388 = math.absf %add3A_387 : vector<16xf32>
        %add3A_389 = arith.addf %add3A_369, %abs3A_388 : vector<16xf32>
        %broadcast_in_dim3A_390 = arith.constant 0.000000e+00 : f32
        %broadcast_in_dim3A_391 = vector.broadcast %broadcast_in_dim3A_390 : f32 to vector<16xf32>
        %scan3A_392 = arith.constant 1 : i32
        %scan3A_393 = arith.constant 25 : i32
        %scan3A_394 = arith.addi %scan3A_392, %scan3A_393 : i32
        %scan3A_395 = arith.constant 1 : i32
        %scan3A_396 = scf.for %scan3A_524 = %scan3A_392 to %scan3A_394 step %scan3A_395 iter_args(%scan3A_525 = %broadcast_in_dim3A_391) -> (vector<16xf32>)  : i32 {
          %add3A_526 = arith.addi %mul3A_194, %scan3A_524 : i32
          %get3A_527 = arith.constant 0 : i32
          %get3A_528 = arith.index_cast %get3A_527 : i32 to index
          %get3A_529 = arith.index_cast %add3A_526 : i32 to index
          %get3A_530 = arith.constant 0 : index
          %get3A_531 = tpu.vector_load %arg11[%get3A_528, %get3A_529, %get3A_530] {strides = array<i32>} : memref<2x104x64xi32, #tpu.memory_space<vmem>>, vector<16xi32>,
          %shift_left3A_532 = arith.constant 16 : i32
          %shift_left3A_533 = vector.broadcast %shift_left3A_532 : i32 to vector<16xi32>
          %shift_left3A_534 = arith.shli %get3A_531, %shift_left3A_533 : vector<16xi32>
          %bitcast3A_535 = vector.bitcast %shift_left3A_534 : vector<16xi32> to vector<16xf32>
          %and3A_536 = arith.constant -65536 : i32
          %and3A_537 = vector.broadcast %and3A_536 : i32 to vector<16xi32>
          %and3A_538 = arith.andi %get3A_531, %and3A_537 : vector<16xi32>
          %bitcast3A_539 = vector.bitcast %and3A_538 : vector<16xi32> to vector<16xf32>
          %get3A_540 = arith.constant 0 : i32
          %get3A_541 = arith.index_cast %get3A_540 : i32 to index
          %get3A_542 = arith.index_cast %add3A_526 : i32 to index
          %get3A_543 = arith.constant 0 : index
          %get3A_544 = tpu.vector_load %arg12[%get3A_541, %get3A_542, %get3A_543] {strides = array<i32>} : memref<2x104x64xi32, #tpu.memory_space<vmem>>, vector<16xi32>,
          %shift_left3A_545 = arith.constant 16 : i32
          %shift_left3A_546 = vector.broadcast %shift_left3A_545 : i32 to vector<16xi32>
          %shift_left3A_547 = arith.shli %get3A_544, %shift_left3A_546 : vector<16xi32>
          %bitcast3A_548 = vector.bitcast %shift_left3A_547 : vector<16xi32> to vector<16xf32>
          %and3A_549 = arith.constant -65536 : i32
          %and3A_550 = vector.broadcast %and3A_549 : i32 to vector<16xi32>
          %and3A_551 = arith.andi %get3A_544, %and3A_550 : vector<16xi32>
          %bitcast3A_552 = vector.bitcast %and3A_551 : vector<16xi32> to vector<16xf32>
          %mul3A_553 = arith.mulf %bitcast3A_535, %bitcast3A_539 : vector<16xf32>
          %mul3A_554 = arith.mulf %bitcast3A_548, %bitcast3A_552 : vector<16xf32>
          %sub3A_555 = arith.subf %mul3A_553, %mul3A_554 : vector<16xf32>
          %get3A_556 = arith.constant 0 : i32
          %get3A_557 = arith.index_cast %get3A_556 : i32 to index
          %get3A_558 = arith.index_cast %add3A_526 : i32 to index
          %get3A_559 = arith.constant 16 : index
          %get3A_560 = tpu.vector_load %arg11[%get3A_557, %get3A_558, %get3A_559] {strides = array<i32>} : memref<2x104x64xi32, #tpu.memory_space<vmem>>, vector<16xi32>,
          %shift_left3A_561 = arith.constant 16 : i32
          %shift_left3A_562 = vector.broadcast %shift_left3A_561 : i32 to vector<16xi32>
          %shift_left3A_563 = arith.shli %get3A_560, %shift_left3A_562 : vector<16xi32>
          %bitcast3A_564 = vector.bitcast %shift_left3A_563 : vector<16xi32> to vector<16xf32>
          %and3A_565 = arith.constant -65536 : i32
          %and3A_566 = vector.broadcast %and3A_565 : i32 to vector<16xi32>
          %and3A_567 = arith.andi %get3A_560, %and3A_566 : vector<16xi32>
          %bitcast3A_568 = vector.bitcast %and3A_567 : vector<16xi32> to vector<16xf32>
          %get3A_569 = arith.constant 0 : i32
          %get3A_570 = arith.index_cast %get3A_569 : i32 to index
          %get3A_571 = arith.index_cast %add3A_526 : i32 to index
          %get3A_572 = arith.constant 16 : index
          %get3A_573 = tpu.vector_load %arg12[%get3A_570, %get3A_571, %get3A_572] {strides = array<i32>} : memref<2x104x64xi32, #tpu.memory_space<vmem>>, vector<16xi32>,
          %shift_left3A_574 = arith.constant 16 : i32
          %shift_left3A_575 = vector.broadcast %shift_left3A_574 : i32 to vector<16xi32>
          %shift_left3A_576 = arith.shli %get3A_573, %shift_left3A_575 : vector<16xi32>
          %bitcast3A_577 = vector.bitcast %shift_left3A_576 : vector<16xi32> to vector<16xf32>
          %and3A_578 = arith.constant -65536 : i32
          %and3A_579 = vector.broadcast %and3A_578 : i32 to vector<16xi32>
          %and3A_580 = arith.andi %get3A_573, %and3A_579 : vector<16xi32>
          %bitcast3A_581 = vector.bitcast %and3A_580 : vector<16xi32> to vector<16xf32>
          %mul3A_582 = arith.mulf %bitcast3A_564, %bitcast3A_568 : vector<16xf32>
          %mul3A_583 = arith.mulf %bitcast3A_577, %bitcast3A_581 : vector<16xf32>
          %sub3A_584 = arith.subf %mul3A_582, %mul3A_583 : vector<16xf32>
          %add3A_585 = arith.addf %sub3A_555, %sub3A_584 : vector<16xf32>
          %get3A_586 = arith.constant 0 : i32
          %get3A_587 = arith.index_cast %get3A_586 : i32 to index
          %get3A_588 = arith.index_cast %add3A_526 : i32 to index
          %get3A_589 = arith.constant 32 : index
          %get3A_590 = tpu.vector_load %arg11[%get3A_587, %get3A_588, %get3A_589] {strides = array<i32>} : memref<2x104x64xi32, #tpu.memory_space<vmem>>, vector<16xi32>,
          %shift_left3A_591 = arith.constant 16 : i32
          %shift_left3A_592 = vector.broadcast %shift_left3A_591 : i32 to vector<16xi32>
          %shift_left3A_593 = arith.shli %get3A_590, %shift_left3A_592 : vector<16xi32>
          %bitcast3A_594 = vector.bitcast %shift_left3A_593 : vector<16xi32> to vector<16xf32>
          %and3A_595 = arith.constant -65536 : i32
          %and3A_596 = vector.broadcast %and3A_595 : i32 to vector<16xi32>
          %and3A_597 = arith.andi %get3A_590, %and3A_596 : vector<16xi32>
          %bitcast3A_598 = vector.bitcast %and3A_597 : vector<16xi32> to vector<16xf32>
          %get3A_599 = arith.constant 0 : i32
          %get3A_600 = arith.index_cast %get3A_599 : i32 to index
          %get3A_601 = arith.index_cast %add3A_526 : i32 to index
          %get3A_602 = arith.constant 32 : index
          %get3A_603 = tpu.vector_load %arg12[%get3A_600, %get3A_601, %get3A_602] {strides = array<i32>} : memref<2x104x64xi32, #tpu.memory_space<vmem>>, vector<16xi32>,
          %shift_left3A_604 = arith.constant 16 : i32
          %shift_left3A_605 = vector.broadcast %shift_left3A_604 : i32 to vector<16xi32>
          %shift_left3A_606 = arith.shli %get3A_603, %shift_left3A_605 : vector<16xi32>
          %bitcast3A_607 = vector.bitcast %shift_left3A_606 : vector<16xi32> to vector<16xf32>
          %and3A_608 = arith.constant -65536 : i32
          %and3A_609 = vector.broadcast %and3A_608 : i32 to vector<16xi32>
          %and3A_610 = arith.andi %get3A_603, %and3A_609 : vector<16xi32>
          %bitcast3A_611 = vector.bitcast %and3A_610 : vector<16xi32> to vector<16xf32>
          %mul3A_612 = arith.mulf %bitcast3A_594, %bitcast3A_598 : vector<16xf32>
          %mul3A_613 = arith.mulf %bitcast3A_607, %bitcast3A_611 : vector<16xf32>
          %sub3A_614 = arith.subf %mul3A_612, %mul3A_613 : vector<16xf32>
          %add3A_615 = arith.addf %add3A_585, %sub3A_614 : vector<16xf32>
          %get3A_616 = arith.constant 0 : i32
          %get3A_617 = arith.index_cast %get3A_616 : i32 to index
          %get3A_618 = arith.index_cast %add3A_526 : i32 to index
          %get3A_619 = arith.constant 48 : index
          %get3A_620 = tpu.vector_load %arg11[%get3A_617, %get3A_618, %get3A_619] {strides = array<i32>} : memref<2x104x64xi32, #tpu.memory_space<vmem>>, vector<16xi32>,
          %shift_left3A_621 = arith.constant 16 : i32
          %shift_left3A_622 = vector.broadcast %shift_left3A_621 : i32 to vector<16xi32>
          %shift_left3A_623 = arith.shli %get3A_620, %shift_left3A_622 : vector<16xi32>
          %bitcast3A_624 = vector.bitcast %shift_left3A_623 : vector<16xi32> to vector<16xf32>
          %and3A_625 = arith.constant -65536 : i32
          %and3A_626 = vector.broadcast %and3A_625 : i32 to vector<16xi32>
          %and3A_627 = arith.andi %get3A_620, %and3A_626 : vector<16xi32>
          %bitcast3A_628 = vector.bitcast %and3A_627 : vector<16xi32> to vector<16xf32>
          %get3A_629 = arith.constant 0 : i32
          %get3A_630 = arith.index_cast %get3A_629 : i32 to index
          %get3A_631 = arith.index_cast %add3A_526 : i32 to index
          %get3A_632 = arith.constant 48 : index
          %get3A_633 = tpu.vector_load %arg12[%get3A_630, %get3A_631, %get3A_632] {strides = array<i32>} : memref<2x104x64xi32, #tpu.memory_space<vmem>>, vector<16xi32>,
          %shift_left3A_634 = arith.constant 16 : i32
          %shift_left3A_635 = vector.broadcast %shift_left3A_634 : i32 to vector<16xi32>
          %shift_left3A_636 = arith.shli %get3A_633, %shift_left3A_635 : vector<16xi32>
          %bitcast3A_637 = vector.bitcast %shift_left3A_636 : vector<16xi32> to vector<16xf32>
          %and3A_638 = arith.constant -65536 : i32
          %and3A_639 = vector.broadcast %and3A_638 : i32 to vector<16xi32>
          %and3A_640 = arith.andi %get3A_633, %and3A_639 : vector<16xi32>
          %bitcast3A_641 = vector.bitcast %and3A_640 : vector<16xi32> to vector<16xf32>
          %mul3A_642 = arith.mulf %bitcast3A_624, %bitcast3A_628 : vector<16xf32>
          %mul3A_643 = arith.mulf %bitcast3A_637, %bitcast3A_641 : vector<16xf32>
          %sub3A_644 = arith.subf %mul3A_642, %mul3A_643 : vector<16xf32>
          %add3A_645 = arith.addf %add3A_615, %sub3A_644 : vector<16xf32>
          %reduce_sum3A_646 = arith.constant true
          %reduce_sum3A_647 = vector.broadcast %reduce_sum3A_646 : i1 to vector<16xi1>
          %reduce_sum3A_648 = tpu.scan <sum>, %add3A_645 masked %reduce_sum3A_647 : vector<16xf32>, vector<16xi1> -> vector<16xf32>
          %reduce_sum3A_649 = vector.extract %reduce_sum3A_648[15] : f32 from vector<16xf32>
          %get3A_650 = arith.constant 0 : i32
          %get3A_651 = arith.index_cast %get3A_650 : i32 to index
          %get3A_652 = arith.index_cast %add3A_526 : i32 to index
          %get3A_653 = arith.constant 0 : index
          %get3A_654 = tpu.vector_load %arg13[%get3A_651, %get3A_652, %get3A_653] {strides = array<i32>} : memref<2x104x64xi32, #tpu.memory_space<vmem>>, vector<16xi32>,
          %shift_left3A_655 = arith.constant 16 : i32
          %shift_left3A_656 = vector.broadcast %shift_left3A_655 : i32 to vector<16xi32>
          %shift_left3A_657 = arith.shli %get3A_654, %shift_left3A_656 : vector<16xi32>
          %bitcast3A_658 = vector.bitcast %shift_left3A_657 : vector<16xi32> to vector<16xf32>
          %and3A_659 = arith.constant -65536 : i32
          %and3A_660 = vector.broadcast %and3A_659 : i32 to vector<16xi32>
          %and3A_661 = arith.andi %get3A_654, %and3A_660 : vector<16xi32>
          %bitcast3A_662 = vector.bitcast %and3A_661 : vector<16xi32> to vector<16xf32>
          %sub3A_663 = arith.subf %bitcast3A_535, %bitcast3A_548 : vector<16xf32>
          %mul3A_664 = vector.broadcast %reduce_sum3A_649 : f32 to vector<16xf32>
          %mul3A_665 = arith.mulf %mul3A_664, %bitcast3A_658 : vector<16xf32>
          %add3A_666 = arith.addf %sub3A_663, %mul3A_665 : vector<16xf32>
          %add3A_667 = arith.addf %add3A_666, %bitcast3A_662 : vector<16xf32>
          %abs3A_668 = math.absf %add3A_667 : vector<16xf32>
          %get3A_669 = arith.constant 0 : i32
          %get3A_670 = arith.index_cast %get3A_669 : i32 to index
          %get3A_671 = arith.index_cast %add3A_526 : i32 to index
          %get3A_672 = arith.constant 16 : index
          %get3A_673 = tpu.vector_load %arg13[%get3A_670, %get3A_671, %get3A_672] {strides = array<i32>} : memref<2x104x64xi32, #tpu.memory_space<vmem>>, vector<16xi32>,
          %shift_left3A_674 = arith.constant 16 : i32
          %shift_left3A_675 = vector.broadcast %shift_left3A_674 : i32 to vector<16xi32>
          %shift_left3A_676 = arith.shli %get3A_673, %shift_left3A_675 : vector<16xi32>
          %bitcast3A_677 = vector.bitcast %shift_left3A_676 : vector<16xi32> to vector<16xf32>
          %and3A_678 = arith.constant -65536 : i32
          %and3A_679 = vector.broadcast %and3A_678 : i32 to vector<16xi32>
          %and3A_680 = arith.andi %get3A_673, %and3A_679 : vector<16xi32>
          %bitcast3A_681 = vector.bitcast %and3A_680 : vector<16xi32> to vector<16xf32>
          %sub3A_682 = arith.subf %bitcast3A_564, %bitcast3A_577 : vector<16xf32>
          %mul3A_683 = vector.broadcast %reduce_sum3A_649 : f32 to vector<16xf32>
          %mul3A_684 = arith.mulf %mul3A_683, %bitcast3A_677 : vector<16xf32>
          %add3A_685 = arith.addf %sub3A_682, %mul3A_684 : vector<16xf32>
          %add3A_686 = arith.addf %add3A_685, %bitcast3A_681 : vector<16xf32>
          %abs3A_687 = math.absf %add3A_686 : vector<16xf32>
          %add3A_688 = arith.addf %abs3A_668, %abs3A_687 : vector<16xf32>
          %get3A_689 = arith.constant 0 : i32
          %get3A_690 = arith.index_cast %get3A_689 : i32 to index
          %get3A_691 = arith.index_cast %add3A_526 : i32 to index
          %get3A_692 = arith.constant 32 : index
          %get3A_693 = tpu.vector_load %arg13[%get3A_690, %get3A_691, %get3A_692] {strides = array<i32>} : memref<2x104x64xi32, #tpu.memory_space<vmem>>, vector<16xi32>,
          %shift_left3A_694 = arith.constant 16 : i32
          %shift_left3A_695 = vector.broadcast %shift_left3A_694 : i32 to vector<16xi32>
          %shift_left3A_696 = arith.shli %get3A_693, %shift_left3A_695 : vector<16xi32>
          %bitcast3A_697 = vector.bitcast %shift_left3A_696 : vector<16xi32> to vector<16xf32>
          %and3A_698 = arith.constant -65536 : i32
          %and3A_699 = vector.broadcast %and3A_698 : i32 to vector<16xi32>
          %and3A_700 = arith.andi %get3A_693, %and3A_699 : vector<16xi32>
          %bitcast3A_701 = vector.bitcast %and3A_700 : vector<16xi32> to vector<16xf32>
          %sub3A_702 = arith.subf %bitcast3A_594, %bitcast3A_607 : vector<16xf32>
          %mul3A_703 = vector.broadcast %reduce_sum3A_649 : f32 to vector<16xf32>
          %mul3A_704 = arith.mulf %mul3A_703, %bitcast3A_697 : vector<16xf32>
          %add3A_705 = arith.addf %sub3A_702, %mul3A_704 : vector<16xf32>
          %add3A_706 = arith.addf %add3A_705, %bitcast3A_701 : vector<16xf32>
          %abs3A_707 = math.absf %add3A_706 : vector<16xf32>
          %add3A_708 = arith.addf %add3A_688, %abs3A_707 : vector<16xf32>
          %get3A_709 = arith.constant 0 : i32
          %get3A_710 = arith.index_cast %get3A_709 : i32 to index
          %get3A_711 = arith.index_cast %add3A_526 : i32 to index
          %get3A_712 = arith.constant 48 : index
          %get3A_713 = tpu.vector_load %arg13[%get3A_710, %get3A_711, %get3A_712] {strides = array<i32>} : memref<2x104x64xi32, #tpu.memory_space<vmem>>, vector<16xi32>,
          %shift_left3A_714 = arith.constant 16 : i32
          %shift_left3A_715 = vector.broadcast %shift_left3A_714 : i32 to vector<16xi32>
          %shift_left3A_716 = arith.shli %get3A_713, %shift_left3A_715 : vector<16xi32>
          %bitcast3A_717 = vector.bitcast %shift_left3A_716 : vector<16xi32> to vector<16xf32>
          %and3A_718 = arith.constant -65536 : i32
          %and3A_719 = vector.broadcast %and3A_718 : i32 to vector<16xi32>
          %and3A_720 = arith.andi %get3A_713, %and3A_719 : vector<16xi32>
          %bitcast3A_721 = vector.bitcast %and3A_720 : vector<16xi32> to vector<16xf32>
          %sub3A_722 = arith.subf %bitcast3A_624, %bitcast3A_637 : vector<16xf32>
          %mul3A_723 = vector.broadcast %reduce_sum3A_649 : f32 to vector<16xf32>
          %mul3A_724 = arith.mulf %mul3A_723, %bitcast3A_717 : vector<16xf32>
          %add3A_725 = arith.addf %sub3A_722, %mul3A_724 : vector<16xf32>
          %add3A_726 = arith.addf %add3A_725, %bitcast3A_721 : vector<16xf32>
          %abs3A_727 = math.absf %add3A_726 : vector<16xf32>
          %add3A_728 = arith.addf %add3A_708, %abs3A_727 : vector<16xf32>
          %add3A_729 = arith.addf %scan3A_525, %add3A_728 : vector<16xf32>
          scf.yield %add3A_729 : vector<16xf32>
        }
        %scan3A_397 = arith.constant 25 : i32
        %iota3A = tpu.iota {dimensions = array<i32: 0>} : vector<16xi32>
        %xor3A = arith.constant 8 : i32
        %xor3A_398 = vector.broadcast %xor3A : i32 to vector<16xi32>
        %xor3A_399 = arith.xori %iota3A, %xor3A_398 : vector<16xi32>
        %lt3A_400 = arith.constant 0 : i32
        %lt3A_401 = vector.broadcast %lt3A_400 : i32 to vector<16xi32>
        %lt3A_402 = arith.cmpi slt, %xor3A_399, %lt3A_401 : vector<16xi32>
        %add3A_403 = arith.constant 16 : i32
        %add3A_404 = vector.broadcast %add3A_403 : i32 to vector<16xi32>
        %add3A_405 = arith.addi %xor3A_399, %add3A_404 : vector<16xi32>
        %select_n3A = arith.select %lt3A_402, %add3A_405, %xor3A_399 : vector<16xi1>, vector<16xi32>
        %broadcast_in_dim3A_406 = vector.shape_cast %select_n3A : vector<16xi32> to vector<16x1xi32>
        %gather3A = vector.shape_cast %broadcast_in_dim3A_406 : vector<16x1xi32> to vector<16xi32>
        %gather3A_407 = tpu.dynamic_gather %add3A_389[%gather3A] in [0] : vector<16xf32>, vector<16xi32> -> vector<16xf32>
        %add3A_408 = arith.addf %add3A_389, %gather3A_407 : vector<16xf32>
        %iota3A_409 = tpu.iota {dimensions = array<i32: 0>} : vector<16xi32>
        %xor3A_410 = arith.constant 4 : i32
        %xor3A_411 = vector.broadcast %xor3A_410 : i32 to vector<16xi32>
        %xor3A_412 = arith.xori %iota3A_409, %xor3A_411 : vector<16xi32>
        %lt3A_413 = arith.constant 0 : i32
        %lt3A_414 = vector.broadcast %lt3A_413 : i32 to vector<16xi32>
        %lt3A_415 = arith.cmpi slt, %xor3A_412, %lt3A_414 : vector<16xi32>
        %add3A_416 = arith.constant 16 : i32
        %add3A_417 = vector.broadcast %add3A_416 : i32 to vector<16xi32>
        %add3A_418 = arith.addi %xor3A_412, %add3A_417 : vector<16xi32>
        %select_n3A_419 = arith.select %lt3A_415, %add3A_418, %xor3A_412 : vector<16xi1>, vector<16xi32>
        %broadcast_in_dim3A_420 = vector.shape_cast %select_n3A_419 : vector<16xi32> to vector<16x1xi32>
        %gather3A_421 = vector.shape_cast %broadcast_in_dim3A_420 : vector<16x1xi32> to vector<16xi32>
        %gather3A_422 = tpu.dynamic_gather %add3A_408[%gather3A_421] in [0] : vector<16xf32>, vector<16xi32> -> vector<16xf32>
        %add3A_423 = arith.addf %add3A_408, %gather3A_422 : vector<16xf32>
        %iota3A_424 = tpu.iota {dimensions = array<i32: 0>} : vector<16xi32>
        %xor3A_425 = arith.constant 2 : i32
        %xor3A_426 = vector.broadcast %xor3A_425 : i32 to vector<16xi32>
        %xor3A_427 = arith.xori %iota3A_424, %xor3A_426 : vector<16xi32>
        %lt3A_428 = arith.constant 0 : i32
        %lt3A_429 = vector.broadcast %lt3A_428 : i32 to vector<16xi32>
        %lt3A_430 = arith.cmpi slt, %xor3A_427, %lt3A_429 : vector<16xi32>
        %add3A_431 = arith.constant 16 : i32
        %add3A_432 = vector.broadcast %add3A_431 : i32 to vector<16xi32>
        %add3A_433 = arith.addi %xor3A_427, %add3A_432 : vector<16xi32>
        %select_n3A_434 = arith.select %lt3A_430, %add3A_433, %xor3A_427 : vector<16xi1>, vector<16xi32>
        %broadcast_in_dim3A_435 = vector.shape_cast %select_n3A_434 : vector<16xi32> to vector<16x1xi32>
        %gather3A_436 = vector.shape_cast %broadcast_in_dim3A_435 : vector<16x1xi32> to vector<16xi32>
        %gather3A_437 = tpu.dynamic_gather %add3A_423[%gather3A_436] in [0] : vector<16xf32>, vector<16xi32> -> vector<16xf32>
        %add3A_438 = arith.addf %add3A_423, %gather3A_437 : vector<16xf32>
        %iota3A_439 = tpu.iota {dimensions = array<i32: 0>} : vector<16xi32>
        %xor3A_440 = arith.constant 1 : i32
        %xor3A_441 = vector.broadcast %xor3A_440 : i32 to vector<16xi32>
        %xor3A_442 = arith.xori %iota3A_439, %xor3A_441 : vector<16xi32>
        %lt3A_443 = arith.constant 0 : i32
        %lt3A_444 = vector.broadcast %lt3A_443 : i32 to vector<16xi32>
        %lt3A_445 = arith.cmpi slt, %xor3A_442, %lt3A_444 : vector<16xi32>
        %add3A_446 = arith.constant 16 : i32
        %add3A_447 = vector.broadcast %add3A_446 : i32 to vector<16xi32>
        %add3A_448 = arith.addi %xor3A_442, %add3A_447 : vector<16xi32>
        %select_n3A_449 = arith.select %lt3A_445, %add3A_448, %xor3A_442 : vector<16xi1>, vector<16xi32>
        %broadcast_in_dim3A_450 = vector.shape_cast %select_n3A_449 : vector<16xi32> to vector<16x1xi32>
        %gather3A_451 = vector.shape_cast %broadcast_in_dim3A_450 : vector<16x1xi32> to vector<16xi32>
        %gather3A_452 = tpu.dynamic_gather %add3A_438[%gather3A_451] in [0] : vector<16xf32>, vector<16xi32> -> vector<16xf32>
        %add3A_453 = arith.addf %add3A_438, %gather3A_452 : vector<16xf32>
        %iota3A_454 = tpu.iota {dimensions = array<i32: 0>} : vector<16xi32>
        %xor3A_455 = arith.constant 8 : i32
        %xor3A_456 = vector.broadcast %xor3A_455 : i32 to vector<16xi32>
        %xor3A_457 = arith.xori %iota3A_454, %xor3A_456 : vector<16xi32>
        %lt3A_458 = arith.constant 0 : i32
        %lt3A_459 = vector.broadcast %lt3A_458 : i32 to vector<16xi32>
        %lt3A_460 = arith.cmpi slt, %xor3A_457, %lt3A_459 : vector<16xi32>
        %add3A_461 = arith.constant 16 : i32
        %add3A_462 = vector.broadcast %add3A_461 : i32 to vector<16xi32>
        %add3A_463 = arith.addi %xor3A_457, %add3A_462 : vector<16xi32>
        %select_n3A_464 = arith.select %lt3A_460, %add3A_463, %xor3A_457 : vector<16xi1>, vector<16xi32>
        %broadcast_in_dim3A_465 = vector.shape_cast %select_n3A_464 : vector<16xi32> to vector<16x1xi32>
        %gather3A_466 = vector.shape_cast %broadcast_in_dim3A_465 : vector<16x1xi32> to vector<16xi32>
        %gather3A_467 = tpu.dynamic_gather %scan3A_396[%gather3A_466] in [0] : vector<16xf32>, vector<16xi32> -> vector<16xf32>
        %add3A_468 = arith.addf %scan3A_396, %gather3A_467 : vector<16xf32>
        %iota3A_469 = tpu.iota {dimensions = array<i32: 0>} : vector<16xi32>
        %xor3A_470 = arith.constant 4 : i32
        %xor3A_471 = vector.broadcast %xor3A_470 : i32 to vector<16xi32>
        %xor3A_472 = arith.xori %iota3A_469, %xor3A_471 : vector<16xi32>
        %lt3A_473 = arith.constant 0 : i32
        %lt3A_474 = vector.broadcast %lt3A_473 : i32 to vector<16xi32>
        %lt3A_475 = arith.cmpi slt, %xor3A_472, %lt3A_474 : vector<16xi32>
        %add3A_476 = arith.constant 16 : i32
        %add3A_477 = vector.broadcast %add3A_476 : i32 to vector<16xi32>
        %add3A_478 = arith.addi %xor3A_472, %add3A_477 : vector<16xi32>
        %select_n3A_479 = arith.select %lt3A_475, %add3A_478, %xor3A_472 : vector<16xi1>, vector<16xi32>
        %broadcast_in_dim3A_480 = vector.shape_cast %select_n3A_479 : vector<16xi32> to vector<16x1xi32>
        %gather3A_481 = vector.shape_cast %broadcast_in_dim3A_480 : vector<16x1xi32> to vector<16xi32>
        %gather3A_482 = tpu.dynamic_gather %add3A_468[%gather3A_481] in [0] : vector<16xf32>, vector<16xi32> -> vector<16xf32>
        %add3A_483 = arith.addf %add3A_468, %gather3A_482 : vector<16xf32>
        %iota3A_484 = tpu.iota {dimensions = array<i32: 0>} : vector<16xi32>
        %xor3A_485 = arith.constant 2 : i32
        %xor3A_486 = vector.broadcast %xor3A_485 : i32 to vector<16xi32>
        %xor3A_487 = arith.xori %iota3A_484, %xor3A_486 : vector<16xi32>
        %lt3A_488 = arith.constant 0 : i32
        %lt3A_489 = vector.broadcast %lt3A_488 : i32 to vector<16xi32>
        %lt3A_490 = arith.cmpi slt, %xor3A_487, %lt3A_489 : vector<16xi32>
        %add3A_491 = arith.constant 16 : i32
        %add3A_492 = vector.broadcast %add3A_491 : i32 to vector<16xi32>
        %add3A_493 = arith.addi %xor3A_487, %add3A_492 : vector<16xi32>
        %select_n3A_494 = arith.select %lt3A_490, %add3A_493, %xor3A_487 : vector<16xi1>, vector<16xi32>
        %broadcast_in_dim3A_495 = vector.shape_cast %select_n3A_494 : vector<16xi32> to vector<16x1xi32>
        %gather3A_496 = vector.shape_cast %broadcast_in_dim3A_495 : vector<16x1xi32> to vector<16xi32>
        %gather3A_497 = tpu.dynamic_gather %add3A_483[%gather3A_496] in [0] : vector<16xf32>, vector<16xi32> -> vector<16xf32>
        %add3A_498 = arith.addf %add3A_483, %gather3A_497 : vector<16xf32>
        %iota3A_499 = tpu.iota {dimensions = array<i32: 0>} : vector<16xi32>
        %xor3A_500 = arith.constant 1 : i32
        %xor3A_501 = vector.broadcast %xor3A_500 : i32 to vector<16xi32>
        %xor3A_502 = arith.xori %iota3A_499, %xor3A_501 : vector<16xi32>
        %lt3A_503 = arith.constant 0 : i32
        %lt3A_504 = vector.broadcast %lt3A_503 : i32 to vector<16xi32>
        %lt3A_505 = arith.cmpi slt, %xor3A_502, %lt3A_504 : vector<16xi32>
        %add3A_506 = arith.constant 16 : i32
        %add3A_507 = vector.broadcast %add3A_506 : i32 to vector<16xi32>
        %add3A_508 = arith.addi %xor3A_502, %add3A_507 : vector<16xi32>
        %select_n3A_509 = arith.select %lt3A_505, %add3A_508, %xor3A_502 : vector<16xi1>, vector<16xi32>
        %broadcast_in_dim3A_510 = vector.shape_cast %select_n3A_509 : vector<16xi32> to vector<16x1xi32>
        %gather3A_511 = vector.shape_cast %broadcast_in_dim3A_510 : vector<16x1xi32> to vector<16xi32>
        %gather3A_512 = tpu.dynamic_gather %add3A_498[%gather3A_511] in [0] : vector<16xf32>, vector<16xi32> -> vector<16xf32>
        %add3A_513 = arith.addf %add3A_498, %gather3A_512 : vector<16xf32>
        %mul3A_514 = arith.constant 4.000000e-02 : f32
        %mul3A_515 = vector.broadcast %mul3A_514 : f32 to vector<16xf32>
        %mul3A_516 = arith.mulf %add3A_513, %mul3A_515 : vector<16xf32>
        %sub3A_517 = arith.subf %add3A_453, %mul3A_516 : vector<16xf32>
        %add3A_518 = arith.constant 1.000000e+00 : f32
        %add3A_519 = vector.broadcast %add3A_518 : f32 to vector<16xf32>
        %add3A_520 = arith.addf %sub3A_517, %add3A_519 : vector<16xf32>
        %max3A = arith.constant 0.000000e+00 : f32
        %max3A_521 = vector.broadcast %max3A : f32 to vector<16xf32>
        %max3A_522 = arith.maximumf %add3A_520, %max3A_521 : vector<16xf32>
        %add3A_523 = arith.addf %scan3A_192, %max3A_522 : vector<16xf32>
        scf.yield %add3A_523 : vector<16xf32>
      }
      %scan3A_133 = arith.constant 4 : i32
      %add3A_134 = arith.constant 2 : i32
      %add3A_135 = arith.addi %mul3A_48, %add3A_134 : i32
      %lt3A = arith.constant 128 : i32
      %lt3A_136 = arith.cmpi slt, %add3A_135, %lt3A : i32
      %convert_element_type3A = arith.extui %lt3A_136 : i1 to i32
      %cond3A = arith.constant 0 : i32
      %cond3A_137 = arith.cmpi ne, %convert_element_type3A, %cond3A : i32
      scf.if %cond3A_137 {
        %add3A_191 = arith.constant 2 : i32
        %add3A_192 = arith.addi %mul3A_48, %add3A_191 : i32
        %mul3A_193 = arith.constant 104 : i32
        %mul3A_194 = arith.muli %add3A_192, %mul3A_193 : i32
        %dma_start3A_195 = arith.constant 0 : i32
        %dma_start3A_196 = arith.constant 0 : i32
        %dma_start3A_197 = arith.constant 0 : i32
        %dma_start3A_198 = tpu.memref_slice %arg11[%dma_start3A_195, %dma_start3A_196, %dma_start3A_197] : memref<2x104x64xi32, #tpu.memory_space<vmem>> -> memref<1x104x64xi32, #tpu.memory_space<vmem>>
        %dma_start3A_199 = tpu.memref_squeeze %dma_start3A_198 : memref<1x104x64xi32, #tpu.memory_space<vmem>> -> memref<104x64xi32, #tpu.memory_space<vmem>>
        %dma_start3A_200 = tpu.memref_slice %arg8[%mul3A_194] : memref<13312xi32, #tpu.memory_space<vmem>> -> memref<104xi32, #tpu.memory_space<vmem>>
        %dma_start3A_201 = arith.constant 0 : i32
        %dma_start3A_202 = arith.constant 0 : i32
        %dma_start3A_203 = tpu.memref_slice %arg5[%dma_start3A_201, %dma_start3A_202] : memref<100000x64xi32, #tpu.memory_space<hbm>> -> memref<100000x64xi32, #tpu.memory_space<hbm>>
        tpu.enqueue_indirect_dma source(%dma_start3A_203 : memref<100000x64xi32, #tpu.memory_space<hbm>>) target(%dma_start3A_199 : memref<104x64xi32, #tpu.memory_space<vmem>>) offsets(%dma_start3A_200 : memref<104xi32, #tpu.memory_space<vmem>>) semaphore(%arg15 : memref<!tpu.dma_semaphore, #tpu.memory_space<semaphore_mem>>)
        %mul3A_204 = arith.constant 104 : i32
        %mul3A_205 = arith.muli %add3A_192, %mul3A_204 : i32
        %dma_start3A_206 = arith.constant 0 : i32
        %dma_start3A_207 = arith.constant 0 : i32
        %dma_start3A_208 = arith.constant 0 : i32
        %dma_start3A_209 = tpu.memref_slice %arg12[%dma_start3A_206, %dma_start3A_207, %dma_start3A_208] : memref<2x104x64xi32, #tpu.memory_space<vmem>> -> memref<1x104x64xi32, #tpu.memory_space<vmem>>
        %dma_start3A_210 = tpu.memref_squeeze %dma_start3A_209 : memref<1x104x64xi32, #tpu.memory_space<vmem>> -> memref<104x64xi32, #tpu.memory_space<vmem>>
        %dma_start3A_211 = tpu.memref_slice %arg9[%mul3A_205] : memref<13312xi32, #tpu.memory_space<vmem>> -> memref<104xi32, #tpu.memory_space<vmem>>
        %dma_start3A_212 = arith.constant 0 : i32
        %dma_start3A_213 = arith.constant 0 : i32
        %dma_start3A_214 = tpu.memref_slice %arg5[%dma_start3A_212, %dma_start3A_213] : memref<100000x64xi32, #tpu.memory_space<hbm>> -> memref<100000x64xi32, #tpu.memory_space<hbm>>
        tpu.enqueue_indirect_dma source(%dma_start3A_214 : memref<100000x64xi32, #tpu.memory_space<hbm>>) target(%dma_start3A_210 : memref<104x64xi32, #tpu.memory_space<vmem>>) offsets(%dma_start3A_211 : memref<104xi32, #tpu.memory_space<vmem>>) semaphore(%arg15 : memref<!tpu.dma_semaphore, #tpu.memory_space<semaphore_mem>>)
        %mul3A_215 = arith.constant 104 : i32
        %mul3A_216 = arith.muli %add3A_192, %mul3A_215 : i32
        %dma_start3A_217 = arith.constant 0 : i32
        %dma_start3A_218 = arith.constant 0 : i32
        %dma_start3A_219 = arith.constant 0 : i32
        %dma_start3A_220 = tpu.memref_slice %arg13[%dma_start3A_217, %dma_start3A_218, %dma_start3A_219] : memref<2x104x64xi32, #tpu.memory_space<vmem>> -> memref<1x104x64xi32, #tpu.memory_space<vmem>>
        %dma_start3A_221 = tpu.memref_squeeze %dma_start3A_220 : memref<1x104x64xi32, #tpu.memory_space<vmem>> -> memref<104x64xi32, #tpu.memory_space<vmem>>
        %dma_start3A_222 = tpu.memref_slice %arg10[%mul3A_216] : memref<13312xi32, #tpu.memory_space<vmem>> -> memref<104xi32, #tpu.memory_space<vmem>>
        %dma_start3A_223 = arith.constant 0 : i32
        %dma_start3A_224 = arith.constant 0 : i32
        %dma_start3A_225 = tpu.memref_slice %arg6[%dma_start3A_223, %dma_start3A_224] : memref<1000x64xi32, #tpu.memory_space<hbm>> -> memref<1000x64xi32, #tpu.memory_space<hbm>>
        tpu.enqueue_indirect_dma source(%dma_start3A_225 : memref<1000x64xi32, #tpu.memory_space<hbm>>) target(%dma_start3A_221 : memref<104x64xi32, #tpu.memory_space<vmem>>) offsets(%dma_start3A_222 : memref<104xi32, #tpu.memory_space<vmem>>) semaphore(%arg15 : memref<!tpu.dma_semaphore, #tpu.memory_space<semaphore_mem>>)
      } else {
      }
      %dma_wait3A_138 = arith.constant 1 : i32
      %dma_wait3A_139 = arith.constant 0 : i32
      %dma_wait3A_140 = arith.constant 0 : i32
      %dma_wait3A_141 = tpu.memref_slice %arg11[%dma_wait3A_138, %dma_wait3A_139, %dma_wait3A_140] : memref<2x104x64xi32, #tpu.memory_space<vmem>> -> memref<1x104x64xi32, #tpu.memory_space<vmem>>
      %dma_wait3A_142 = tpu.memref_squeeze %dma_wait3A_141 : memref<1x104x64xi32, #tpu.memory_space<vmem>> -> memref<104x64xi32, #tpu.memory_space<vmem>>
      %dma_wait3A_143 = arith.constant 0 : i32
      %dma_wait3A_144 = arith.constant 0 : i32
      %dma_wait3A_145 = tpu.memref_slice %arg5[%dma_wait3A_143, %dma_wait3A_144] : memref<100000x64xi32, #tpu.memory_space<hbm>> -> memref<104x64xi32, #tpu.memory_space<hbm>>
      %dma_wait3A_146 = arith.constant 0 : i32
      %dma_wait3A_147 = arith.constant 0 : i32
      %dma_wait3A_148 = tpu.memref_slice %arg11[%dma_wait3A_138, %dma_wait3A_146, %dma_wait3A_147] : memref<2x104x64xi32, #tpu.memory_space<vmem>> -> memref<1x104x64xi32, #tpu.memory_space<vmem>>
      %dma_wait3A_149 = tpu.memref_squeeze %dma_wait3A_148 : memref<1x104x64xi32, #tpu.memory_space<vmem>> -> memref<104x64xi32, #tpu.memory_space<vmem>>
      %dma_wait3A_150 = arith.constant 0 : i32
      %dma_wait3A_151 = arith.constant 0 : i32
      %dma_wait3A_152 = tpu.memref_slice %arg5[%dma_wait3A_150, %dma_wait3A_151] : memref<100000x64xi32, #tpu.memory_space<hbm>> -> memref<104x64xi32, #tpu.memory_space<hbm>>
      tpu.wait_dma2 semaphore(%arg16 : memref<!tpu.dma_semaphore, #tpu.memory_space<semaphore_mem>>) src(%dma_wait3A_152 : memref<104x64xi32, #tpu.memory_space<hbm>>) dst(%dma_wait3A_149 : memref<104x64xi32, #tpu.memory_space<vmem>>)
      %dma_wait3A_153 = arith.constant 1 : i32
      %dma_wait3A_154 = arith.constant 0 : i32
      %dma_wait3A_155 = arith.constant 0 : i32
      %dma_wait3A_156 = tpu.memref_slice %arg12[%dma_wait3A_153, %dma_wait3A_154, %dma_wait3A_155] : memref<2x104x64xi32, #tpu.memory_space<vmem>> -> memref<1x104x64xi32, #tpu.memory_space<vmem>>
      %dma_wait3A_157 = tpu.memref_squeeze %dma_wait3A_156 : memref<1x104x64xi32, #tpu.memory_space<vmem>> -> memref<104x64xi32, #tpu.memory_space<vmem>>
      %dma_wait3A_158 = arith.constant 0 : i32
      %dma_wait3A_159 = arith.constant 0 : i32
      %dma_wait3A_160 = tpu.memref_slice %arg5[%dma_wait3A_158, %dma_wait3A_159] : memref<100000x64xi32, #tpu.memory_space<hbm>> -> memref<104x64xi32, #tpu.memory_space<hbm>>
      %dma_wait3A_161 = arith.constant 0 : i32
      %dma_wait3A_162 = arith.constant 0 : i32
      %dma_wait3A_163 = tpu.memref_slice %arg12[%dma_wait3A_153, %dma_wait3A_161, %dma_wait3A_162] : memref<2x104x64xi32, #tpu.memory_space<vmem>> -> memref<1x104x64xi32, #tpu.memory_space<vmem>>
      %dma_wait3A_164 = tpu.memref_squeeze %dma_wait3A_163 : memref<1x104x64xi32, #tpu.memory_space<vmem>> -> memref<104x64xi32, #tpu.memory_space<vmem>>
      %dma_wait3A_165 = arith.constant 0 : i32
      %dma_wait3A_166 = arith.constant 0 : i32
      %dma_wait3A_167 = tpu.memref_slice %arg5[%dma_wait3A_165, %dma_wait3A_166] : memref<100000x64xi32, #tpu.memory_space<hbm>> -> memref<104x64xi32, #tpu.memory_space<hbm>>
      tpu.wait_dma2 semaphore(%arg16 : memref<!tpu.dma_semaphore, #tpu.memory_space<semaphore_mem>>) src(%dma_wait3A_167 : memref<104x64xi32, #tpu.memory_space<hbm>>) dst(%dma_wait3A_164 : memref<104x64xi32, #tpu.memory_space<vmem>>)
      %dma_wait3A_168 = arith.constant 1 : i32
      %dma_wait3A_169 = arith.constant 0 : i32
      %dma_wait3A_170 = arith.constant 0 : i32
      %dma_wait3A_171 = tpu.memref_slice %arg13[%dma_wait3A_168, %dma_wait3A_169, %dma_wait3A_170] : memref<2x104x64xi32, #tpu.memory_space<vmem>> -> memref<1x104x64xi32, #tpu.memory_space<vmem>>
      %dma_wait3A_172 = tpu.memref_squeeze %dma_wait3A_171 : memref<1x104x64xi32, #tpu.memory_space<vmem>> -> memref<104x64xi32, #tpu.memory_space<vmem>>
      %dma_wait3A_173 = arith.constant 0 : i32
      %dma_wait3A_174 = arith.constant 0 : i32
      %dma_wait3A_175 = tpu.memref_slice %arg5[%dma_wait3A_173, %dma_wait3A_174] : memref<100000x64xi32, #tpu.memory_space<hbm>> -> memref<104x64xi32, #tpu.memory_space<hbm>>
      %dma_wait3A_176 = arith.constant 0 : i32
      %dma_wait3A_177 = arith.constant 0 : i32
      %dma_wait3A_178 = tpu.memref_slice %arg13[%dma_wait3A_168, %dma_wait3A_176, %dma_wait3A_177] : memref<2x104x64xi32, #tpu.memory_space<vmem>> -> memref<1x104x64xi32, #tpu.memory_space<vmem>>
      %dma_wait3A_179 = tpu.memref_squeeze %dma_wait3A_178 : memref<1x104x64xi32, #tpu.memory_space<vmem>> -> memref<104x64xi32, #tpu.memory_space<vmem>>
      %dma_wait3A_180 = arith.constant 0 : i32
      %dma_wait3A_181 = arith.constant 0 : i32
      %dma_wait3A_182 = tpu.memref_slice %arg5[%dma_wait3A_180, %dma_wait3A_181] : memref<100000x64xi32, #tpu.memory_space<hbm>> -> memref<104x64xi32, #tpu.memory_space<hbm>>
      tpu.wait_dma2 semaphore(%arg16 : memref<!tpu.dma_semaphore, #tpu.memory_space<semaphore_mem>>) src(%dma_wait3A_182 : memref<104x64xi32, #tpu.memory_space<hbm>>) dst(%dma_wait3A_179 : memref<104x64xi32, #tpu.memory_space<vmem>>)
      %add3A_183 = arith.constant 1 : i32
      %add3A_184 = arith.addi %mul3A_48, %add3A_183 : i32
      %scan3A_185 = arith.constant 0 : i32
      %scan3A_186 = arith.constant 4 : i32
      %scan3A_187 = arith.addi %scan3A_185, %scan3A_186 : i32
      %scan3A_188 = arith.constant 1 : i32
      %scan3A_189 = scf.for %scan3A_191 = %scan3A_185 to %scan3A_187 step %scan3A_188 iter_args(%scan3A_192 = %scan3A_132) -> (vector<16xf32>)  : i32 {
        %mul3A_193 = arith.constant 26 : i32
        %mul3A_194 = arith.muli %scan3A_191, %mul3A_193 : i32
        %get3A = arith.constant 1 : i32
        %get3A_195 = arith.index_cast %get3A : i32 to index
        %get3A_196 = arith.index_cast %mul3A_194 : i32 to index
        %get3A_197 = arith.constant 0 : index
        %get3A_198 = tpu.vector_load %arg11[%get3A_195, %get3A_196, %get3A_197] {strides = array<i32>} : memref<2x104x64xi32, #tpu.memory_space<vmem>>, vector<16xi32>,
        %shift_left3A = arith.constant 16 : i32
        %shift_left3A_199 = vector.broadcast %shift_left3A : i32 to vector<16xi32>
        %shift_left3A_200 = arith.shli %get3A_198, %shift_left3A_199 : vector<16xi32>
        %bitcast3A = vector.bitcast %shift_left3A_200 : vector<16xi32> to vector<16xf32>
        %and3A = arith.constant -65536 : i32
        %and3A_201 = vector.broadcast %and3A : i32 to vector<16xi32>
        %and3A_202 = arith.andi %get3A_198, %and3A_201 : vector<16xi32>
        %bitcast3A_203 = vector.bitcast %and3A_202 : vector<16xi32> to vector<16xf32>
        %get3A_204 = arith.constant 1 : i32
        %get3A_205 = arith.index_cast %get3A_204 : i32 to index
        %get3A_206 = arith.index_cast %mul3A_194 : i32 to index
        %get3A_207 = arith.constant 0 : index
        %get3A_208 = tpu.vector_load %arg12[%get3A_205, %get3A_206, %get3A_207] {strides = array<i32>} : memref<2x104x64xi32, #tpu.memory_space<vmem>>, vector<16xi32>,
        %shift_left3A_209 = arith.constant 16 : i32
        %shift_left3A_210 = vector.broadcast %shift_left3A_209 : i32 to vector<16xi32>
        %shift_left3A_211 = arith.shli %get3A_208, %shift_left3A_210 : vector<16xi32>
        %bitcast3A_212 = vector.bitcast %shift_left3A_211 : vector<16xi32> to vector<16xf32>
        %and3A_213 = arith.constant -65536 : i32
        %and3A_214 = vector.broadcast %and3A_213 : i32 to vector<16xi32>
        %and3A_215 = arith.andi %get3A_208, %and3A_214 : vector<16xi32>
        %bitcast3A_216 = vector.bitcast %and3A_215 : vector<16xi32> to vector<16xf32>
        %mul3A_217 = arith.mulf %bitcast3A, %bitcast3A_203 : vector<16xf32>
        %mul3A_218 = arith.mulf %bitcast3A_212, %bitcast3A_216 : vector<16xf32>
        %sub3A = arith.subf %mul3A_217, %mul3A_218 : vector<16xf32>
        %get3A_219 = arith.constant 1 : i32
        %get3A_220 = arith.index_cast %get3A_219 : i32 to index
        %get3A_221 = arith.index_cast %mul3A_194 : i32 to index
        %get3A_222 = arith.constant 16 : index
        %get3A_223 = tpu.vector_load %arg11[%get3A_220, %get3A_221, %get3A_222] {strides = array<i32>} : memref<2x104x64xi32, #tpu.memory_space<vmem>>, vector<16xi32>,
        %shift_left3A_224 = arith.constant 16 : i32
        %shift_left3A_225 = vector.broadcast %shift_left3A_224 : i32 to vector<16xi32>
        %shift_left3A_226 = arith.shli %get3A_223, %shift_left3A_225 : vector<16xi32>
        %bitcast3A_227 = vector.bitcast %shift_left3A_226 : vector<16xi32> to vector<16xf32>
        %and3A_228 = arith.constant -65536 : i32
        %and3A_229 = vector.broadcast %and3A_228 : i32 to vector<16xi32>
        %and3A_230 = arith.andi %get3A_223, %and3A_229 : vector<16xi32>
        %bitcast3A_231 = vector.bitcast %and3A_230 : vector<16xi32> to vector<16xf32>
        %get3A_232 = arith.constant 1 : i32
        %get3A_233 = arith.index_cast %get3A_232 : i32 to index
        %get3A_234 = arith.index_cast %mul3A_194 : i32 to index
        %get3A_235 = arith.constant 16 : index
        %get3A_236 = tpu.vector_load %arg12[%get3A_233, %get3A_234, %get3A_235] {strides = array<i32>} : memref<2x104x64xi32, #tpu.memory_space<vmem>>, vector<16xi32>,
        %shift_left3A_237 = arith.constant 16 : i32
        %shift_left3A_238 = vector.broadcast %shift_left3A_237 : i32 to vector<16xi32>
        %shift_left3A_239 = arith.shli %get3A_236, %shift_left3A_238 : vector<16xi32>
        %bitcast3A_240 = vector.bitcast %shift_left3A_239 : vector<16xi32> to vector<16xf32>
        %and3A_241 = arith.constant -65536 : i32
        %and3A_242 = vector.broadcast %and3A_241 : i32 to vector<16xi32>
        %and3A_243 = arith.andi %get3A_236, %and3A_242 : vector<16xi32>
        %bitcast3A_244 = vector.bitcast %and3A_243 : vector<16xi32> to vector<16xf32>
        %mul3A_245 = arith.mulf %bitcast3A_227, %bitcast3A_231 : vector<16xf32>
        %mul3A_246 = arith.mulf %bitcast3A_240, %bitcast3A_244 : vector<16xf32>
        %sub3A_247 = arith.subf %mul3A_245, %mul3A_246 : vector<16xf32>
        %add3A_248 = arith.addf %sub3A, %sub3A_247 : vector<16xf32>
        %get3A_249 = arith.constant 1 : i32
        %get3A_250 = arith.index_cast %get3A_249 : i32 to index
        %get3A_251 = arith.index_cast %mul3A_194 : i32 to index
        %get3A_252 = arith.constant 32 : index
        %get3A_253 = tpu.vector_load %arg11[%get3A_250, %get3A_251, %get3A_252] {strides = array<i32>} : memref<2x104x64xi32, #tpu.memory_space<vmem>>, vector<16xi32>,
        %shift_left3A_254 = arith.constant 16 : i32
        %shift_left3A_255 = vector.broadcast %shift_left3A_254 : i32 to vector<16xi32>
        %shift_left3A_256 = arith.shli %get3A_253, %shift_left3A_255 : vector<16xi32>
        %bitcast3A_257 = vector.bitcast %shift_left3A_256 : vector<16xi32> to vector<16xf32>
        %and3A_258 = arith.constant -65536 : i32
        %and3A_259 = vector.broadcast %and3A_258 : i32 to vector<16xi32>
        %and3A_260 = arith.andi %get3A_253, %and3A_259 : vector<16xi32>
        %bitcast3A_261 = vector.bitcast %and3A_260 : vector<16xi32> to vector<16xf32>
        %get3A_262 = arith.constant 1 : i32
        %get3A_263 = arith.index_cast %get3A_262 : i32 to index
        %get3A_264 = arith.index_cast %mul3A_194 : i32 to index
        %get3A_265 = arith.constant 32 : index
        %get3A_266 = tpu.vector_load %arg12[%get3A_263, %get3A_264, %get3A_265] {strides = array<i32>} : memref<2x104x64xi32, #tpu.memory_space<vmem>>, vector<16xi32>,
        %shift_left3A_267 = arith.constant 16 : i32
        %shift_left3A_268 = vector.broadcast %shift_left3A_267 : i32 to vector<16xi32>
        %shift_left3A_269 = arith.shli %get3A_266, %shift_left3A_268 : vector<16xi32>
        %bitcast3A_270 = vector.bitcast %shift_left3A_269 : vector<16xi32> to vector<16xf32>
        %and3A_271 = arith.constant -65536 : i32
        %and3A_272 = vector.broadcast %and3A_271 : i32 to vector<16xi32>
        %and3A_273 = arith.andi %get3A_266, %and3A_272 : vector<16xi32>
        %bitcast3A_274 = vector.bitcast %and3A_273 : vector<16xi32> to vector<16xf32>
        %mul3A_275 = arith.mulf %bitcast3A_257, %bitcast3A_261 : vector<16xf32>
        %mul3A_276 = arith.mulf %bitcast3A_270, %bitcast3A_274 : vector<16xf32>
        %sub3A_277 = arith.subf %mul3A_275, %mul3A_276 : vector<16xf32>
        %add3A_278 = arith.addf %add3A_248, %sub3A_277 : vector<16xf32>
        %get3A_279 = arith.constant 1 : i32
        %get3A_280 = arith.index_cast %get3A_279 : i32 to index
        %get3A_281 = arith.index_cast %mul3A_194 : i32 to index
        %get3A_282 = arith.constant 48 : index
        %get3A_283 = tpu.vector_load %arg11[%get3A_280, %get3A_281, %get3A_282] {strides = array<i32>} : memref<2x104x64xi32, #tpu.memory_space<vmem>>, vector<16xi32>,
        %shift_left3A_284 = arith.constant 16 : i32
        %shift_left3A_285 = vector.broadcast %shift_left3A_284 : i32 to vector<16xi32>
        %shift_left3A_286 = arith.shli %get3A_283, %shift_left3A_285 : vector<16xi32>
        %bitcast3A_287 = vector.bitcast %shift_left3A_286 : vector<16xi32> to vector<16xf32>
        %and3A_288 = arith.constant -65536 : i32
        %and3A_289 = vector.broadcast %and3A_288 : i32 to vector<16xi32>
        %and3A_290 = arith.andi %get3A_283, %and3A_289 : vector<16xi32>
        %bitcast3A_291 = vector.bitcast %and3A_290 : vector<16xi32> to vector<16xf32>
        %get3A_292 = arith.constant 1 : i32
        %get3A_293 = arith.index_cast %get3A_292 : i32 to index
        %get3A_294 = arith.index_cast %mul3A_194 : i32 to index
        %get3A_295 = arith.constant 48 : index
        %get3A_296 = tpu.vector_load %arg12[%get3A_293, %get3A_294, %get3A_295] {strides = array<i32>} : memref<2x104x64xi32, #tpu.memory_space<vmem>>, vector<16xi32>,
        %shift_left3A_297 = arith.constant 16 : i32
        %shift_left3A_298 = vector.broadcast %shift_left3A_297 : i32 to vector<16xi32>
        %shift_left3A_299 = arith.shli %get3A_296, %shift_left3A_298 : vector<16xi32>
        %bitcast3A_300 = vector.bitcast %shift_left3A_299 : vector<16xi32> to vector<16xf32>
        %and3A_301 = arith.constant -65536 : i32
        %and3A_302 = vector.broadcast %and3A_301 : i32 to vector<16xi32>
        %and3A_303 = arith.andi %get3A_296, %and3A_302 : vector<16xi32>
        %bitcast3A_304 = vector.bitcast %and3A_303 : vector<16xi32> to vector<16xf32>
        %mul3A_305 = arith.mulf %bitcast3A_287, %bitcast3A_291 : vector<16xf32>
        %mul3A_306 = arith.mulf %bitcast3A_300, %bitcast3A_304 : vector<16xf32>
        %sub3A_307 = arith.subf %mul3A_305, %mul3A_306 : vector<16xf32>
        %add3A_308 = arith.addf %add3A_278, %sub3A_307 : vector<16xf32>
        %reduce_sum3A = arith.constant true
        %reduce_sum3A_309 = vector.broadcast %reduce_sum3A : i1 to vector<16xi1>
        %reduce_sum3A_310 = tpu.scan <sum>, %add3A_308 masked %reduce_sum3A_309 : vector<16xf32>, vector<16xi1> -> vector<16xf32>
        %reduce_sum3A_311 = vector.extract %reduce_sum3A_310[15] : f32 from vector<16xf32>
        %get3A_312 = arith.constant 1 : i32
        %get3A_313 = arith.index_cast %get3A_312 : i32 to index
        %get3A_314 = arith.index_cast %mul3A_194 : i32 to index
        %get3A_315 = arith.constant 0 : index
        %get3A_316 = tpu.vector_load %arg13[%get3A_313, %get3A_314, %get3A_315] {strides = array<i32>} : memref<2x104x64xi32, #tpu.memory_space<vmem>>, vector<16xi32>,
        %shift_left3A_317 = arith.constant 16 : i32
        %shift_left3A_318 = vector.broadcast %shift_left3A_317 : i32 to vector<16xi32>
        %shift_left3A_319 = arith.shli %get3A_316, %shift_left3A_318 : vector<16xi32>
        %bitcast3A_320 = vector.bitcast %shift_left3A_319 : vector<16xi32> to vector<16xf32>
        %and3A_321 = arith.constant -65536 : i32
        %and3A_322 = vector.broadcast %and3A_321 : i32 to vector<16xi32>
        %and3A_323 = arith.andi %get3A_316, %and3A_322 : vector<16xi32>
        %bitcast3A_324 = vector.bitcast %and3A_323 : vector<16xi32> to vector<16xf32>
        %sub3A_325 = arith.subf %bitcast3A, %bitcast3A_212 : vector<16xf32>
        %mul3A_326 = vector.broadcast %reduce_sum3A_311 : f32 to vector<16xf32>
        %mul3A_327 = arith.mulf %mul3A_326, %bitcast3A_320 : vector<16xf32>
        %add3A_328 = arith.addf %sub3A_325, %mul3A_327 : vector<16xf32>
        %add3A_329 = arith.addf %add3A_328, %bitcast3A_324 : vector<16xf32>
        %abs3A = math.absf %add3A_329 : vector<16xf32>
        %get3A_330 = arith.constant 1 : i32
        %get3A_331 = arith.index_cast %get3A_330 : i32 to index
        %get3A_332 = arith.index_cast %mul3A_194 : i32 to index
        %get3A_333 = arith.constant 16 : index
        %get3A_334 = tpu.vector_load %arg13[%get3A_331, %get3A_332, %get3A_333] {strides = array<i32>} : memref<2x104x64xi32, #tpu.memory_space<vmem>>, vector<16xi32>,
        %shift_left3A_335 = arith.constant 16 : i32
        %shift_left3A_336 = vector.broadcast %shift_left3A_335 : i32 to vector<16xi32>
        %shift_left3A_337 = arith.shli %get3A_334, %shift_left3A_336 : vector<16xi32>
        %bitcast3A_338 = vector.bitcast %shift_left3A_337 : vector<16xi32> to vector<16xf32>
        %and3A_339 = arith.constant -65536 : i32
        %and3A_340 = vector.broadcast %and3A_339 : i32 to vector<16xi32>
        %and3A_341 = arith.andi %get3A_334, %and3A_340 : vector<16xi32>
        %bitcast3A_342 = vector.bitcast %and3A_341 : vector<16xi32> to vector<16xf32>
        %sub3A_343 = arith.subf %bitcast3A_227, %bitcast3A_240 : vector<16xf32>
        %mul3A_344 = vector.broadcast %reduce_sum3A_311 : f32 to vector<16xf32>
        %mul3A_345 = arith.mulf %mul3A_344, %bitcast3A_338 : vector<16xf32>
        %add3A_346 = arith.addf %sub3A_343, %mul3A_345 : vector<16xf32>
        %add3A_347 = arith.addf %add3A_346, %bitcast3A_342 : vector<16xf32>
        %abs3A_348 = math.absf %add3A_347 : vector<16xf32>
        %add3A_349 = arith.addf %abs3A, %abs3A_348 : vector<16xf32>
        %get3A_350 = arith.constant 1 : i32
        %get3A_351 = arith.index_cast %get3A_350 : i32 to index
        %get3A_352 = arith.index_cast %mul3A_194 : i32 to index
        %get3A_353 = arith.constant 32 : index
        %get3A_354 = tpu.vector_load %arg13[%get3A_351, %get3A_352, %get3A_353] {strides = array<i32>} : memref<2x104x64xi32, #tpu.memory_space<vmem>>, vector<16xi32>,
        %shift_left3A_355 = arith.constant 16 : i32
        %shift_left3A_356 = vector.broadcast %shift_left3A_355 : i32 to vector<16xi32>
        %shift_left3A_357 = arith.shli %get3A_354, %shift_left3A_356 : vector<16xi32>
        %bitcast3A_358 = vector.bitcast %shift_left3A_357 : vector<16xi32> to vector<16xf32>
        %and3A_359 = arith.constant -65536 : i32
        %and3A_360 = vector.broadcast %and3A_359 : i32 to vector<16xi32>
        %and3A_361 = arith.andi %get3A_354, %and3A_360 : vector<16xi32>
        %bitcast3A_362 = vector.bitcast %and3A_361 : vector<16xi32> to vector<16xf32>
        %sub3A_363 = arith.subf %bitcast3A_257, %bitcast3A_270 : vector<16xf32>
        %mul3A_364 = vector.broadcast %reduce_sum3A_311 : f32 to vector<16xf32>
        %mul3A_365 = arith.mulf %mul3A_364, %bitcast3A_358 : vector<16xf32>
        %add3A_366 = arith.addf %sub3A_363, %mul3A_365 : vector<16xf32>
        %add3A_367 = arith.addf %add3A_366, %bitcast3A_362 : vector<16xf32>
        %abs3A_368 = math.absf %add3A_367 : vector<16xf32>
        %add3A_369 = arith.addf %add3A_349, %abs3A_368 : vector<16xf32>
        %get3A_370 = arith.constant 1 : i32
        %get3A_371 = arith.index_cast %get3A_370 : i32 to index
        %get3A_372 = arith.index_cast %mul3A_194 : i32 to index
        %get3A_373 = arith.constant 48 : index
        %get3A_374 = tpu.vector_load %arg13[%get3A_371, %get3A_372, %get3A_373] {strides = array<i32>} : memref<2x104x64xi32, #tpu.memory_space<vmem>>, vector<16xi32>,
        %shift_left3A_375 = arith.constant 16 : i32
        %shift_left3A_376 = vector.broadcast %shift_left3A_375 : i32 to vector<16xi32>
        %shift_left3A_377 = arith.shli %get3A_374, %shift_left3A_376 : vector<16xi32>
        %bitcast3A_378 = vector.bitcast %shift_left3A_377 : vector<16xi32> to vector<16xf32>
        %and3A_379 = arith.constant -65536 : i32
        %and3A_380 = vector.broadcast %and3A_379 : i32 to vector<16xi32>
        %and3A_381 = arith.andi %get3A_374, %and3A_380 : vector<16xi32>
        %bitcast3A_382 = vector.bitcast %and3A_381 : vector<16xi32> to vector<16xf32>
        %sub3A_383 = arith.subf %bitcast3A_287, %bitcast3A_300 : vector<16xf32>
        %mul3A_384 = vector.broadcast %reduce_sum3A_311 : f32 to vector<16xf32>
        %mul3A_385 = arith.mulf %mul3A_384, %bitcast3A_378 : vector<16xf32>
        %add3A_386 = arith.addf %sub3A_383, %mul3A_385 : vector<16xf32>
        %add3A_387 = arith.addf %add3A_386, %bitcast3A_382 : vector<16xf32>
        %abs3A_388 = math.absf %add3A_387 : vector<16xf32>
        %add3A_389 = arith.addf %add3A_369, %abs3A_388 : vector<16xf32>
        %broadcast_in_dim3A_390 = arith.constant 0.000000e+00 : f32
        %broadcast_in_dim3A_391 = vector.broadcast %broadcast_in_dim3A_390 : f32 to vector<16xf32>
        %scan3A_392 = arith.constant 1 : i32
        %scan3A_393 = arith.constant 25 : i32
        %scan3A_394 = arith.addi %scan3A_392, %scan3A_393 : i32
        %scan3A_395 = arith.constant 1 : i32
        %scan3A_396 = scf.for %scan3A_524 = %scan3A_392 to %scan3A_394 step %scan3A_395 iter_args(%scan3A_525 = %broadcast_in_dim3A_391) -> (vector<16xf32>)  : i32 {
          %add3A_526 = arith.addi %mul3A_194, %scan3A_524 : i32
          %get3A_527 = arith.constant 1 : i32
          %get3A_528 = arith.index_cast %get3A_527 : i32 to index
          %get3A_529 = arith.index_cast %add3A_526 : i32 to index
          %get3A_530 = arith.constant 0 : index
          %get3A_531 = tpu.vector_load %arg11[%get3A_528, %get3A_529, %get3A_530] {strides = array<i32>} : memref<2x104x64xi32, #tpu.memory_space<vmem>>, vector<16xi32>,
          %shift_left3A_532 = arith.constant 16 : i32
          %shift_left3A_533 = vector.broadcast %shift_left3A_532 : i32 to vector<16xi32>
          %shift_left3A_534 = arith.shli %get3A_531, %shift_left3A_533 : vector<16xi32>
          %bitcast3A_535 = vector.bitcast %shift_left3A_534 : vector<16xi32> to vector<16xf32>
          %and3A_536 = arith.constant -65536 : i32
          %and3A_537 = vector.broadcast %and3A_536 : i32 to vector<16xi32>
          %and3A_538 = arith.andi %get3A_531, %and3A_537 : vector<16xi32>
          %bitcast3A_539 = vector.bitcast %and3A_538 : vector<16xi32> to vector<16xf32>
          %get3A_540 = arith.constant 1 : i32
          %get3A_541 = arith.index_cast %get3A_540 : i32 to index
          %get3A_542 = arith.index_cast %add3A_526 : i32 to index
          %get3A_543 = arith.constant 0 : index
          %get3A_544 = tpu.vector_load %arg12[%get3A_541, %get3A_542, %get3A_543] {strides = array<i32>} : memref<2x104x64xi32, #tpu.memory_space<vmem>>, vector<16xi32>,
          %shift_left3A_545 = arith.constant 16 : i32
          %shift_left3A_546 = vector.broadcast %shift_left3A_545 : i32 to vector<16xi32>
          %shift_left3A_547 = arith.shli %get3A_544, %shift_left3A_546 : vector<16xi32>
          %bitcast3A_548 = vector.bitcast %shift_left3A_547 : vector<16xi32> to vector<16xf32>
          %and3A_549 = arith.constant -65536 : i32
          %and3A_550 = vector.broadcast %and3A_549 : i32 to vector<16xi32>
          %and3A_551 = arith.andi %get3A_544, %and3A_550 : vector<16xi32>
          %bitcast3A_552 = vector.bitcast %and3A_551 : vector<16xi32> to vector<16xf32>
          %mul3A_553 = arith.mulf %bitcast3A_535, %bitcast3A_539 : vector<16xf32>
          %mul3A_554 = arith.mulf %bitcast3A_548, %bitcast3A_552 : vector<16xf32>
          %sub3A_555 = arith.subf %mul3A_553, %mul3A_554 : vector<16xf32>
          %get3A_556 = arith.constant 1 : i32
          %get3A_557 = arith.index_cast %get3A_556 : i32 to index
          %get3A_558 = arith.index_cast %add3A_526 : i32 to index
          %get3A_559 = arith.constant 16 : index
          %get3A_560 = tpu.vector_load %arg11[%get3A_557, %get3A_558, %get3A_559] {strides = array<i32>} : memref<2x104x64xi32, #tpu.memory_space<vmem>>, vector<16xi32>,
          %shift_left3A_561 = arith.constant 16 : i32
          %shift_left3A_562 = vector.broadcast %shift_left3A_561 : i32 to vector<16xi32>
          %shift_left3A_563 = arith.shli %get3A_560, %shift_left3A_562 : vector<16xi32>
          %bitcast3A_564 = vector.bitcast %shift_left3A_563 : vector<16xi32> to vector<16xf32>
          %and3A_565 = arith.constant -65536 : i32
          %and3A_566 = vector.broadcast %and3A_565 : i32 to vector<16xi32>
          %and3A_567 = arith.andi %get3A_560, %and3A_566 : vector<16xi32>
          %bitcast3A_568 = vector.bitcast %and3A_567 : vector<16xi32> to vector<16xf32>
          %get3A_569 = arith.constant 1 : i32
          %get3A_570 = arith.index_cast %get3A_569 : i32 to index
          %get3A_571 = arith.index_cast %add3A_526 : i32 to index
          %get3A_572 = arith.constant 16 : index
          %get3A_573 = tpu.vector_load %arg12[%get3A_570, %get3A_571, %get3A_572] {strides = array<i32>} : memref<2x104x64xi32, #tpu.memory_space<vmem>>, vector<16xi32>,
          %shift_left3A_574 = arith.constant 16 : i32
          %shift_left3A_575 = vector.broadcast %shift_left3A_574 : i32 to vector<16xi32>
          %shift_left3A_576 = arith.shli %get3A_573, %shift_left3A_575 : vector<16xi32>
          %bitcast3A_577 = vector.bitcast %shift_left3A_576 : vector<16xi32> to vector<16xf32>
          %and3A_578 = arith.constant -65536 : i32
          %and3A_579 = vector.broadcast %and3A_578 : i32 to vector<16xi32>
          %and3A_580 = arith.andi %get3A_573, %and3A_579 : vector<16xi32>
          %bitcast3A_581 = vector.bitcast %and3A_580 : vector<16xi32> to vector<16xf32>
          %mul3A_582 = arith.mulf %bitcast3A_564, %bitcast3A_568 : vector<16xf32>
          %mul3A_583 = arith.mulf %bitcast3A_577, %bitcast3A_581 : vector<16xf32>
          %sub3A_584 = arith.subf %mul3A_582, %mul3A_583 : vector<16xf32>
          %add3A_585 = arith.addf %sub3A_555, %sub3A_584 : vector<16xf32>
          %get3A_586 = arith.constant 1 : i32
          %get3A_587 = arith.index_cast %get3A_586 : i32 to index
          %get3A_588 = arith.index_cast %add3A_526 : i32 to index
          %get3A_589 = arith.constant 32 : index
          %get3A_590 = tpu.vector_load %arg11[%get3A_587, %get3A_588, %get3A_589] {strides = array<i32>} : memref<2x104x64xi32, #tpu.memory_space<vmem>>, vector<16xi32>,
          %shift_left3A_591 = arith.constant 16 : i32
          %shift_left3A_592 = vector.broadcast %shift_left3A_591 : i32 to vector<16xi32>
          %shift_left3A_593 = arith.shli %get3A_590, %shift_left3A_592 : vector<16xi32>
          %bitcast3A_594 = vector.bitcast %shift_left3A_593 : vector<16xi32> to vector<16xf32>
          %and3A_595 = arith.constant -65536 : i32
          %and3A_596 = vector.broadcast %and3A_595 : i32 to vector<16xi32>
          %and3A_597 = arith.andi %get3A_590, %and3A_596 : vector<16xi32>
          %bitcast3A_598 = vector.bitcast %and3A_597 : vector<16xi32> to vector<16xf32>
          %get3A_599 = arith.constant 1 : i32
          %get3A_600 = arith.index_cast %get3A_599 : i32 to index
          %get3A_601 = arith.index_cast %add3A_526 : i32 to index
          %get3A_602 = arith.constant 32 : index
          %get3A_603 = tpu.vector_load %arg12[%get3A_600, %get3A_601, %get3A_602] {strides = array<i32>} : memref<2x104x64xi32, #tpu.memory_space<vmem>>, vector<16xi32>,
          %shift_left3A_604 = arith.constant 16 : i32
          %shift_left3A_605 = vector.broadcast %shift_left3A_604 : i32 to vector<16xi32>
          %shift_left3A_606 = arith.shli %get3A_603, %shift_left3A_605 : vector<16xi32>
          %bitcast3A_607 = vector.bitcast %shift_left3A_606 : vector<16xi32> to vector<16xf32>
          %and3A_608 = arith.constant -65536 : i32
          %and3A_609 = vector.broadcast %and3A_608 : i32 to vector<16xi32>
          %and3A_610 = arith.andi %get3A_603, %and3A_609 : vector<16xi32>
          %bitcast3A_611 = vector.bitcast %and3A_610 : vector<16xi32> to vector<16xf32>
          %mul3A_612 = arith.mulf %bitcast3A_594, %bitcast3A_598 : vector<16xf32>
          %mul3A_613 = arith.mulf %bitcast3A_607, %bitcast3A_611 : vector<16xf32>
          %sub3A_614 = arith.subf %mul3A_612, %mul3A_613 : vector<16xf32>
          %add3A_615 = arith.addf %add3A_585, %sub3A_614 : vector<16xf32>
          %get3A_616 = arith.constant 1 : i32
          %get3A_617 = arith.index_cast %get3A_616 : i32 to index
          %get3A_618 = arith.index_cast %add3A_526 : i32 to index
          %get3A_619 = arith.constant 48 : index
          %get3A_620 = tpu.vector_load %arg11[%get3A_617, %get3A_618, %get3A_619] {strides = array<i32>} : memref<2x104x64xi32, #tpu.memory_space<vmem>>, vector<16xi32>,
          %shift_left3A_621 = arith.constant 16 : i32
          %shift_left3A_622 = vector.broadcast %shift_left3A_621 : i32 to vector<16xi32>
          %shift_left3A_623 = arith.shli %get3A_620, %shift_left3A_622 : vector<16xi32>
          %bitcast3A_624 = vector.bitcast %shift_left3A_623 : vector<16xi32> to vector<16xf32>
          %and3A_625 = arith.constant -65536 : i32
          %and3A_626 = vector.broadcast %and3A_625 : i32 to vector<16xi32>
          %and3A_627 = arith.andi %get3A_620, %and3A_626 : vector<16xi32>
          %bitcast3A_628 = vector.bitcast %and3A_627 : vector<16xi32> to vector<16xf32>
          %get3A_629 = arith.constant 1 : i32
          %get3A_630 = arith.index_cast %get3A_629 : i32 to index
          %get3A_631 = arith.index_cast %add3A_526 : i32 to index
          %get3A_632 = arith.constant 48 : index
          %get3A_633 = tpu.vector_load %arg12[%get3A_630, %get3A_631, %get3A_632] {strides = array<i32>} : memref<2x104x64xi32, #tpu.memory_space<vmem>>, vector<16xi32>,
          %shift_left3A_634 = arith.constant 16 : i32
          %shift_left3A_635 = vector.broadcast %shift_left3A_634 : i32 to vector<16xi32>
          %shift_left3A_636 = arith.shli %get3A_633, %shift_left3A_635 : vector<16xi32>
          %bitcast3A_637 = vector.bitcast %shift_left3A_636 : vector<16xi32> to vector<16xf32>
          %and3A_638 = arith.constant -65536 : i32
          %and3A_639 = vector.broadcast %and3A_638 : i32 to vector<16xi32>
          %and3A_640 = arith.andi %get3A_633, %and3A_639 : vector<16xi32>
          %bitcast3A_641 = vector.bitcast %and3A_640 : vector<16xi32> to vector<16xf32>
          %mul3A_642 = arith.mulf %bitcast3A_624, %bitcast3A_628 : vector<16xf32>
          %mul3A_643 = arith.mulf %bitcast3A_637, %bitcast3A_641 : vector<16xf32>
          %sub3A_644 = arith.subf %mul3A_642, %mul3A_643 : vector<16xf32>
          %add3A_645 = arith.addf %add3A_615, %sub3A_644 : vector<16xf32>
          %reduce_sum3A_646 = arith.constant true
          %reduce_sum3A_647 = vector.broadcast %reduce_sum3A_646 : i1 to vector<16xi1>
          %reduce_sum3A_648 = tpu.scan <sum>, %add3A_645 masked %reduce_sum3A_647 : vector<16xf32>, vector<16xi1> -> vector<16xf32>
          %reduce_sum3A_649 = vector.extract %reduce_sum3A_648[15] : f32 from vector<16xf32>
          %get3A_650 = arith.constant 1 : i32
          %get3A_651 = arith.index_cast %get3A_650 : i32 to index
          %get3A_652 = arith.index_cast %add3A_526 : i32 to index
          %get3A_653 = arith.constant 0 : index
          %get3A_654 = tpu.vector_load %arg13[%get3A_651, %get3A_652, %get3A_653] {strides = array<i32>} : memref<2x104x64xi32, #tpu.memory_space<vmem>>, vector<16xi32>,
          %shift_left3A_655 = arith.constant 16 : i32
          %shift_left3A_656 = vector.broadcast %shift_left3A_655 : i32 to vector<16xi32>
          %shift_left3A_657 = arith.shli %get3A_654, %shift_left3A_656 : vector<16xi32>
          %bitcast3A_658 = vector.bitcast %shift_left3A_657 : vector<16xi32> to vector<16xf32>
          %and3A_659 = arith.constant -65536 : i32
          %and3A_660 = vector.broadcast %and3A_659 : i32 to vector<16xi32>
          %and3A_661 = arith.andi %get3A_654, %and3A_660 : vector<16xi32>
          %bitcast3A_662 = vector.bitcast %and3A_661 : vector<16xi32> to vector<16xf32>
          %sub3A_663 = arith.subf %bitcast3A_535, %bitcast3A_548 : vector<16xf32>
          %mul3A_664 = vector.broadcast %reduce_sum3A_649 : f32 to vector<16xf32>
          %mul3A_665 = arith.mulf %mul3A_664, %bitcast3A_658 : vector<16xf32>
          %add3A_666 = arith.addf %sub3A_663, %mul3A_665 : vector<16xf32>
          %add3A_667 = arith.addf %add3A_666, %bitcast3A_662 : vector<16xf32>
          %abs3A_668 = math.absf %add3A_667 : vector<16xf32>
          %get3A_669 = arith.constant 1 : i32
          %get3A_670 = arith.index_cast %get3A_669 : i32 to index
          %get3A_671 = arith.index_cast %add3A_526 : i32 to index
          %get3A_672 = arith.constant 16 : index
          %get3A_673 = tpu.vector_load %arg13[%get3A_670, %get3A_671, %get3A_672] {strides = array<i32>} : memref<2x104x64xi32, #tpu.memory_space<vmem>>, vector<16xi32>,
          %shift_left3A_674 = arith.constant 16 : i32
          %shift_left3A_675 = vector.broadcast %shift_left3A_674 : i32 to vector<16xi32>
          %shift_left3A_676 = arith.shli %get3A_673, %shift_left3A_675 : vector<16xi32>
          %bitcast3A_677 = vector.bitcast %shift_left3A_676 : vector<16xi32> to vector<16xf32>
          %and3A_678 = arith.constant -65536 : i32
          %and3A_679 = vector.broadcast %and3A_678 : i32 to vector<16xi32>
          %and3A_680 = arith.andi %get3A_673, %and3A_679 : vector<16xi32>
          %bitcast3A_681 = vector.bitcast %and3A_680 : vector<16xi32> to vector<16xf32>
          %sub3A_682 = arith.subf %bitcast3A_564, %bitcast3A_577 : vector<16xf32>
          %mul3A_683 = vector.broadcast %reduce_sum3A_649 : f32 to vector<16xf32>
          %mul3A_684 = arith.mulf %mul3A_683, %bitcast3A_677 : vector<16xf32>
          %add3A_685 = arith.addf %sub3A_682, %mul3A_684 : vector<16xf32>
          %add3A_686 = arith.addf %add3A_685, %bitcast3A_681 : vector<16xf32>
          %abs3A_687 = math.absf %add3A_686 : vector<16xf32>
          %add3A_688 = arith.addf %abs3A_668, %abs3A_687 : vector<16xf32>
          %get3A_689 = arith.constant 1 : i32
          %get3A_690 = arith.index_cast %get3A_689 : i32 to index
          %get3A_691 = arith.index_cast %add3A_526 : i32 to index
          %get3A_692 = arith.constant 32 : index
          %get3A_693 = tpu.vector_load %arg13[%get3A_690, %get3A_691, %get3A_692] {strides = array<i32>} : memref<2x104x64xi32, #tpu.memory_space<vmem>>, vector<16xi32>,
          %shift_left3A_694 = arith.constant 16 : i32
          %shift_left3A_695 = vector.broadcast %shift_left3A_694 : i32 to vector<16xi32>
          %shift_left3A_696 = arith.shli %get3A_693, %shift_left3A_695 : vector<16xi32>
          %bitcast3A_697 = vector.bitcast %shift_left3A_696 : vector<16xi32> to vector<16xf32>
          %and3A_698 = arith.constant -65536 : i32
          %and3A_699 = vector.broadcast %and3A_698 : i32 to vector<16xi32>
          %and3A_700 = arith.andi %get3A_693, %and3A_699 : vector<16xi32>
          %bitcast3A_701 = vector.bitcast %and3A_700 : vector<16xi32> to vector<16xf32>
          %sub3A_702 = arith.subf %bitcast3A_594, %bitcast3A_607 : vector<16xf32>
          %mul3A_703 = vector.broadcast %reduce_sum3A_649 : f32 to vector<16xf32>
          %mul3A_704 = arith.mulf %mul3A_703, %bitcast3A_697 : vector<16xf32>
          %add3A_705 = arith.addf %sub3A_702, %mul3A_704 : vector<16xf32>
          %add3A_706 = arith.addf %add3A_705, %bitcast3A_701 : vector<16xf32>
          %abs3A_707 = math.absf %add3A_706 : vector<16xf32>
          %add3A_708 = arith.addf %add3A_688, %abs3A_707 : vector<16xf32>
          %get3A_709 = arith.constant 1 : i32
          %get3A_710 = arith.index_cast %get3A_709 : i32 to index
          %get3A_711 = arith.index_cast %add3A_526 : i32 to index
          %get3A_712 = arith.constant 48 : index
          %get3A_713 = tpu.vector_load %arg13[%get3A_710, %get3A_711, %get3A_712] {strides = array<i32>} : memref<2x104x64xi32, #tpu.memory_space<vmem>>, vector<16xi32>,
          %shift_left3A_714 = arith.constant 16 : i32
          %shift_left3A_715 = vector.broadcast %shift_left3A_714 : i32 to vector<16xi32>
          %shift_left3A_716 = arith.shli %get3A_713, %shift_left3A_715 : vector<16xi32>
          %bitcast3A_717 = vector.bitcast %shift_left3A_716 : vector<16xi32> to vector<16xf32>
          %and3A_718 = arith.constant -65536 : i32
          %and3A_719 = vector.broadcast %and3A_718 : i32 to vector<16xi32>
          %and3A_720 = arith.andi %get3A_713, %and3A_719 : vector<16xi32>
          %bitcast3A_721 = vector.bitcast %and3A_720 : vector<16xi32> to vector<16xf32>
          %sub3A_722 = arith.subf %bitcast3A_624, %bitcast3A_637 : vector<16xf32>
          %mul3A_723 = vector.broadcast %reduce_sum3A_649 : f32 to vector<16xf32>
          %mul3A_724 = arith.mulf %mul3A_723, %bitcast3A_717 : vector<16xf32>
          %add3A_725 = arith.addf %sub3A_722, %mul3A_724 : vector<16xf32>
          %add3A_726 = arith.addf %add3A_725, %bitcast3A_721 : vector<16xf32>
          %abs3A_727 = math.absf %add3A_726 : vector<16xf32>
          %add3A_728 = arith.addf %add3A_708, %abs3A_727 : vector<16xf32>
          %add3A_729 = arith.addf %scan3A_525, %add3A_728 : vector<16xf32>
          scf.yield %add3A_729 : vector<16xf32>
        }
        %scan3A_397 = arith.constant 25 : i32
        %iota3A = tpu.iota {dimensions = array<i32: 0>} : vector<16xi32>
        %xor3A = arith.constant 8 : i32
        %xor3A_398 = vector.broadcast %xor3A : i32 to vector<16xi32>
        %xor3A_399 = arith.xori %iota3A, %xor3A_398 : vector<16xi32>
        %lt3A_400 = arith.constant 0 : i32
        %lt3A_401 = vector.broadcast %lt3A_400 : i32 to vector<16xi32>
        %lt3A_402 = arith.cmpi slt, %xor3A_399, %lt3A_401 : vector<16xi32>
        %add3A_403 = arith.constant 16 : i32
        %add3A_404 = vector.broadcast %add3A_403 : i32 to vector<16xi32>
        %add3A_405 = arith.addi %xor3A_399, %add3A_404 : vector<16xi32>
        %select_n3A = arith.select %lt3A_402, %add3A_405, %xor3A_399 : vector<16xi1>, vector<16xi32>
        %broadcast_in_dim3A_406 = vector.shape_cast %select_n3A : vector<16xi32> to vector<16x1xi32>
        %gather3A = vector.shape_cast %broadcast_in_dim3A_406 : vector<16x1xi32> to vector<16xi32>
        %gather3A_407 = tpu.dynamic_gather %add3A_389[%gather3A] in [0] : vector<16xf32>, vector<16xi32> -> vector<16xf32>
        %add3A_408 = arith.addf %add3A_389, %gather3A_407 : vector<16xf32>
        %iota3A_409 = tpu.iota {dimensions = array<i32: 0>} : vector<16xi32>
        %xor3A_410 = arith.constant 4 : i32
        %xor3A_411 = vector.broadcast %xor3A_410 : i32 to vector<16xi32>
        %xor3A_412 = arith.xori %iota3A_409, %xor3A_411 : vector<16xi32>
        %lt3A_413 = arith.constant 0 : i32
        %lt3A_414 = vector.broadcast %lt3A_413 : i32 to vector<16xi32>
        %lt3A_415 = arith.cmpi slt, %xor3A_412, %lt3A_414 : vector<16xi32>
        %add3A_416 = arith.constant 16 : i32
        %add3A_417 = vector.broadcast %add3A_416 : i32 to vector<16xi32>
        %add3A_418 = arith.addi %xor3A_412, %add3A_417 : vector<16xi32>
        %select_n3A_419 = arith.select %lt3A_415, %add3A_418, %xor3A_412 : vector<16xi1>, vector<16xi32>
        %broadcast_in_dim3A_420 = vector.shape_cast %select_n3A_419 : vector<16xi32> to vector<16x1xi32>
        %gather3A_421 = vector.shape_cast %broadcast_in_dim3A_420 : vector<16x1xi32> to vector<16xi32>
        %gather3A_422 = tpu.dynamic_gather %add3A_408[%gather3A_421] in [0] : vector<16xf32>, vector<16xi32> -> vector<16xf32>
        %add3A_423 = arith.addf %add3A_408, %gather3A_422 : vector<16xf32>
        %iota3A_424 = tpu.iota {dimensions = array<i32: 0>} : vector<16xi32>
        %xor3A_425 = arith.constant 2 : i32
        %xor3A_426 = vector.broadcast %xor3A_425 : i32 to vector<16xi32>
        %xor3A_427 = arith.xori %iota3A_424, %xor3A_426 : vector<16xi32>
        %lt3A_428 = arith.constant 0 : i32
        %lt3A_429 = vector.broadcast %lt3A_428 : i32 to vector<16xi32>
        %lt3A_430 = arith.cmpi slt, %xor3A_427, %lt3A_429 : vector<16xi32>
        %add3A_431 = arith.constant 16 : i32
        %add3A_432 = vector.broadcast %add3A_431 : i32 to vector<16xi32>
        %add3A_433 = arith.addi %xor3A_427, %add3A_432 : vector<16xi32>
        %select_n3A_434 = arith.select %lt3A_430, %add3A_433, %xor3A_427 : vector<16xi1>, vector<16xi32>
        %broadcast_in_dim3A_435 = vector.shape_cast %select_n3A_434 : vector<16xi32> to vector<16x1xi32>
        %gather3A_436 = vector.shape_cast %broadcast_in_dim3A_435 : vector<16x1xi32> to vector<16xi32>
        %gather3A_437 = tpu.dynamic_gather %add3A_423[%gather3A_436] in [0] : vector<16xf32>, vector<16xi32> -> vector<16xf32>
        %add3A_438 = arith.addf %add3A_423, %gather3A_437 : vector<16xf32>
        %iota3A_439 = tpu.iota {dimensions = array<i32: 0>} : vector<16xi32>
        %xor3A_440 = arith.constant 1 : i32
        %xor3A_441 = vector.broadcast %xor3A_440 : i32 to vector<16xi32>
        %xor3A_442 = arith.xori %iota3A_439, %xor3A_441 : vector<16xi32>
        %lt3A_443 = arith.constant 0 : i32
        %lt3A_444 = vector.broadcast %lt3A_443 : i32 to vector<16xi32>
        %lt3A_445 = arith.cmpi slt, %xor3A_442, %lt3A_444 : vector<16xi32>
        %add3A_446 = arith.constant 16 : i32
        %add3A_447 = vector.broadcast %add3A_446 : i32 to vector<16xi32>
        %add3A_448 = arith.addi %xor3A_442, %add3A_447 : vector<16xi32>
        %select_n3A_449 = arith.select %lt3A_445, %add3A_448, %xor3A_442 : vector<16xi1>, vector<16xi32>
        %broadcast_in_dim3A_450 = vector.shape_cast %select_n3A_449 : vector<16xi32> to vector<16x1xi32>
        %gather3A_451 = vector.shape_cast %broadcast_in_dim3A_450 : vector<16x1xi32> to vector<16xi32>
        %gather3A_452 = tpu.dynamic_gather %add3A_438[%gather3A_451] in [0] : vector<16xf32>, vector<16xi32> -> vector<16xf32>
        %add3A_453 = arith.addf %add3A_438, %gather3A_452 : vector<16xf32>
        %iota3A_454 = tpu.iota {dimensions = array<i32: 0>} : vector<16xi32>
        %xor3A_455 = arith.constant 8 : i32
        %xor3A_456 = vector.broadcast %xor3A_455 : i32 to vector<16xi32>
        %xor3A_457 = arith.xori %iota3A_454, %xor3A_456 : vector<16xi32>
        %lt3A_458 = arith.constant 0 : i32
        %lt3A_459 = vector.broadcast %lt3A_458 : i32 to vector<16xi32>
        %lt3A_460 = arith.cmpi slt, %xor3A_457, %lt3A_459 : vector<16xi32>
        %add3A_461 = arith.constant 16 : i32
        %add3A_462 = vector.broadcast %add3A_461 : i32 to vector<16xi32>
        %add3A_463 = arith.addi %xor3A_457, %add3A_462 : vector<16xi32>
        %select_n3A_464 = arith.select %lt3A_460, %add3A_463, %xor3A_457 : vector<16xi1>, vector<16xi32>
        %broadcast_in_dim3A_465 = vector.shape_cast %select_n3A_464 : vector<16xi32> to vector<16x1xi32>
        %gather3A_466 = vector.shape_cast %broadcast_in_dim3A_465 : vector<16x1xi32> to vector<16xi32>
        %gather3A_467 = tpu.dynamic_gather %scan3A_396[%gather3A_466] in [0] : vector<16xf32>, vector<16xi32> -> vector<16xf32>
        %add3A_468 = arith.addf %scan3A_396, %gather3A_467 : vector<16xf32>
        %iota3A_469 = tpu.iota {dimensions = array<i32: 0>} : vector<16xi32>
        %xor3A_470 = arith.constant 4 : i32
        %xor3A_471 = vector.broadcast %xor3A_470 : i32 to vector<16xi32>
        %xor3A_472 = arith.xori %iota3A_469, %xor3A_471 : vector<16xi32>
        %lt3A_473 = arith.constant 0 : i32
        %lt3A_474 = vector.broadcast %lt3A_473 : i32 to vector<16xi32>
        %lt3A_475 = arith.cmpi slt, %xor3A_472, %lt3A_474 : vector<16xi32>
        %add3A_476 = arith.constant 16 : i32
        %add3A_477 = vector.broadcast %add3A_476 : i32 to vector<16xi32>
        %add3A_478 = arith.addi %xor3A_472, %add3A_477 : vector<16xi32>
        %select_n3A_479 = arith.select %lt3A_475, %add3A_478, %xor3A_472 : vector<16xi1>, vector<16xi32>
        %broadcast_in_dim3A_480 = vector.shape_cast %select_n3A_479 : vector<16xi32> to vector<16x1xi32>
        %gather3A_481 = vector.shape_cast %broadcast_in_dim3A_480 : vector<16x1xi32> to vector<16xi32>
        %gather3A_482 = tpu.dynamic_gather %add3A_468[%gather3A_481] in [0] : vector<16xf32>, vector<16xi32> -> vector<16xf32>
        %add3A_483 = arith.addf %add3A_468, %gather3A_482 : vector<16xf32>
        %iota3A_484 = tpu.iota {dimensions = array<i32: 0>} : vector<16xi32>
        %xor3A_485 = arith.constant 2 : i32
        %xor3A_486 = vector.broadcast %xor3A_485 : i32 to vector<16xi32>
        %xor3A_487 = arith.xori %iota3A_484, %xor3A_486 : vector<16xi32>
        %lt3A_488 = arith.constant 0 : i32
        %lt3A_489 = vector.broadcast %lt3A_488 : i32 to vector<16xi32>
        %lt3A_490 = arith.cmpi slt, %xor3A_487, %lt3A_489 : vector<16xi32>
        %add3A_491 = arith.constant 16 : i32
        %add3A_492 = vector.broadcast %add3A_491 : i32 to vector<16xi32>
        %add3A_493 = arith.addi %xor3A_487, %add3A_492 : vector<16xi32>
        %select_n3A_494 = arith.select %lt3A_490, %add3A_493, %xor3A_487 : vector<16xi1>, vector<16xi32>
        %broadcast_in_dim3A_495 = vector.shape_cast %select_n3A_494 : vector<16xi32> to vector<16x1xi32>
        %gather3A_496 = vector.shape_cast %broadcast_in_dim3A_495 : vector<16x1xi32> to vector<16xi32>
        %gather3A_497 = tpu.dynamic_gather %add3A_483[%gather3A_496] in [0] : vector<16xf32>, vector<16xi32> -> vector<16xf32>
        %add3A_498 = arith.addf %add3A_483, %gather3A_497 : vector<16xf32>
        %iota3A_499 = tpu.iota {dimensions = array<i32: 0>} : vector<16xi32>
        %xor3A_500 = arith.constant 1 : i32
        %xor3A_501 = vector.broadcast %xor3A_500 : i32 to vector<16xi32>
        %xor3A_502 = arith.xori %iota3A_499, %xor3A_501 : vector<16xi32>
        %lt3A_503 = arith.constant 0 : i32
        %lt3A_504 = vector.broadcast %lt3A_503 : i32 to vector<16xi32>
        %lt3A_505 = arith.cmpi slt, %xor3A_502, %lt3A_504 : vector<16xi32>
        %add3A_506 = arith.constant 16 : i32
        %add3A_507 = vector.broadcast %add3A_506 : i32 to vector<16xi32>
        %add3A_508 = arith.addi %xor3A_502, %add3A_507 : vector<16xi32>
        %select_n3A_509 = arith.select %lt3A_505, %add3A_508, %xor3A_502 : vector<16xi1>, vector<16xi32>
        %broadcast_in_dim3A_510 = vector.shape_cast %select_n3A_509 : vector<16xi32> to vector<16x1xi32>
        %gather3A_511 = vector.shape_cast %broadcast_in_dim3A_510 : vector<16x1xi32> to vector<16xi32>
        %gather3A_512 = tpu.dynamic_gather %add3A_498[%gather3A_511] in [0] : vector<16xf32>, vector<16xi32> -> vector<16xf32>
        %add3A_513 = arith.addf %add3A_498, %gather3A_512 : vector<16xf32>
        %mul3A_514 = arith.constant 4.000000e-02 : f32
        %mul3A_515 = vector.broadcast %mul3A_514 : f32 to vector<16xf32>
        %mul3A_516 = arith.mulf %add3A_513, %mul3A_515 : vector<16xf32>
        %sub3A_517 = arith.subf %add3A_453, %mul3A_516 : vector<16xf32>
        %add3A_518 = arith.constant 1.000000e+00 : f32
        %add3A_519 = vector.broadcast %add3A_518 : f32 to vector<16xf32>
        %add3A_520 = arith.addf %sub3A_517, %add3A_519 : vector<16xf32>
        %max3A = arith.constant 0.000000e+00 : f32
        %max3A_521 = vector.broadcast %max3A : f32 to vector<16xf32>
        %max3A_522 = arith.maximumf %add3A_520, %max3A_521 : vector<16xf32>
        %add3A_523 = arith.addf %scan3A_192, %max3A_522 : vector<16xf32>
        scf.yield %add3A_523 : vector<16xf32>
      }
      %scan3A_190 = arith.constant 4 : i32
      scf.yield %scan3A_189 : vector<16xf32>
    }
    %scan3A_41 = arith.constant 64 : i32
    %swap3A = arith.constant 0 : index
    %swap3A_42 = tpu.vector_load %arg14[%swap3A] {strides = array<i32>} : memref<16xf32, #tpu.memory_space<vmem>>, vector<16xf32>,
    tpu.vector_store %arg14[%swap3A], %scan3A_40 {strides = array<i32>} : memref<16xf32, #tpu.memory_space<vmem>>, vector<16xf32>,
    %mul3A_43 = arith.constant 16 : i32
    %mul3A_44 = arith.muli %add3A, %mul3A_43 : i32
    "tpu.region"() ({
      %run_scoped3A = tpu.sem_alloc : memref<!tpu.dma_semaphore, #tpu.memory_space<semaphore_mem>>
      %dma_start3A_45 = tpu.memref_slice %arg7[%mul3A_44] : memref<512xf32, #tpu.memory_space<hbm>> -> memref<16xf32, #tpu.memory_space<hbm>>
      %dma_start3A_46 = tpu.memref_slice %arg7[%mul3A_44] : memref<512xf32, #tpu.memory_space<hbm>> -> memref<16xf32, #tpu.memory_space<hbm>>
      tpu.enqueue_dma source(%arg14 : memref<16xf32, #tpu.memory_space<vmem>>) target(%dma_start3A_46 : memref<16xf32, #tpu.memory_space<hbm>>) target_semaphore(%run_scoped3A : memref<!tpu.dma_semaphore, #tpu.memory_space<semaphore_mem>>)
      %dma_wait3A = tpu.memref_slice %arg7[%mul3A_44] : memref<512xf32, #tpu.memory_space<hbm>> -> memref<16xf32, #tpu.memory_space<hbm>>
      %dma_wait3A_47 = tpu.memref_slice %arg7[%mul3A_44] : memref<512xf32, #tpu.memory_space<hbm>> -> memref<16xf32, #tpu.memory_space<hbm>>
      tpu.wait_dma2 semaphore(%run_scoped3A : memref<!tpu.dma_semaphore, #tpu.memory_space<semaphore_mem>>) src(%arg14 : memref<16xf32, #tpu.memory_space<vmem>>) dst(%dma_wait3A_47 : memref<16xf32, #tpu.memory_space<hbm>>)
      tpu.yield
    }) : () -> ()
    return
  }
}

</mosaic_0001>

<sc_bundles>
// kernel: kernel.3.cloned.1.call-start
scs
__scs_entry_jumppad:
0x0: {  	(pc) =	sbr.rel $0x88, $3  }
0x1: {  	(tag) =	ssettag $0x0;
	lr =	simm.s32 $0x1  }
0x2: {  	[smem:$0x3F97] =	sst lr;
	_ =	strace $0xD0000000  }
0x3: {  	_ = 	snop  }
0x4: {  	_ = 	snop  }
0x5: {  	_ = 	snop  }
0x6: {  	_ = 	snop  }
0x7: {  	_ = 	snop  }
__scs_overlays_trampoline_lowered:
0x8: {  	[smem:$0x3FA6] =	sst s0  }
0x9: {  	[smem:$0x3FA7] =	sst s1  }
0xa: {  	[smem:$0x3FA8] =	sst s2  }
0xb: {  	[smem:$0x3FA9] =	sst s3  }
0xc: {  	[smem:$0x3FAA] =	sst s4  }
0xd: {  	[smem:$0x3FAB] =	sst s5  }
0xe: {  	[smem:$0x3FAC] =	sst s6  }
0xf: {  	[smem:$0x3FAD] =	sst s7  }
0x10: {  	[smem:$0x3FAE] =	sst s8  }
0x11: {  	[smem:$0x3FAF] =	sst s9;
	s0 =	simm.s32 @!p0 $0x0  }
0x12: {  	s1 =	sld [smem:$0x3F95];
	s0 =	simm.s32 @p0 $0x1  }
0x13: {  	[smem:$0x3FB0] =	sst s0;
	s0 =	simm.s32 @!p1 $0x0  }
0x14: {  	s2 =	sld [smem:$0x3F94];
	s0 =	simm.s32 @p1 $0x1  }
0x15: {  	[smem:$0x3FB1] =	sst s0;
	s0 =	simm.s32 @!p2 $0x0  }
0x16: {  	s3 =	sld [smem:$0x3FDB];
	s0 =	simm.s32 @p2 $0x1  }
0x17: {  	s4 =	simm.s32 $0x1BF5;
	[smem:$0x3FB3] =	sst s0  }
0x18: {  	s0 =	sld [smem:$0x3F96];
	_ =	swait.ge [sflag:s4], $0x0  }
0x19: {  	s7 =	sld [smem:$0x3F97]  }
0x1a: {  	s8 =	sadd.s32 $0xFFFFE003, lr  }
0x1b: {  	s9 =	sadd.s32 $0xFFFFFEF7, lr;
	s5 =	simm.s32 $0xFFFFFFFF;
	p2 =	slt.u32 s8, $0xFFFFF086  }
0x1c: {  	p1 =	slt.u32 s9, $0xF7A;
	s5 =	simm.s32 @!p2 $0x0  }
0x1d: {  	s5 =	simm.s32 @p1 $0x1;
	p0 =	seq.s32 s7, s2  }
0x1e: {  	s7 =	smul.u32 @!p0 $0xF7A, s2;
	p2 =	seq.s32 @!p0 s5, $0x0  }
0x1f: {  	s9 =	smul.u32 $0xF7A, s1;
	s8 =	simm.s32 @!p0 $0x1BF5;
	p2 =	por !p2, p0  }
0x20: {  	[sflag:s8] =	ssyncset.s32 @!p0 $0xFFFFF086;
	s6 =	sadd.s32 @!p0 s3, s7;
	s7 =	simm.s32 @!p0 $0x108  }
0x21: {  	s3 =	sadd.s32 s3, s9;
	s6 =	sadd.s32 @!p0 $0x88, s6;
	s7 =	simm.s32 @p2 $0x1082  }
0x22: {  	[simem:s7], [sflag:s8] =	dma.local @!p0 [hbm:s6], $0xF7A  }
0x23: {  	s9 =	sor.u32 $0xD0000000, s2;
	s6 =	simm.s32 $0x108;
	_ =	swait.ge @!p0 [sflag:s8], $0x0  }
0x24: {  	s3 =	sadd.s32 $0x88, s3;
	s6 =	simm.s32 @!p1 $0x1082;
	[sflag:s4] =	ssyncset.s32 $0xFFFFF086  }
0x25: {  	[simem:s6], [sflag:s4] =	dma.local [hbm:s3], $0xF7A  }
0x26: {  	[smem:$0x3F97] =	sst s1;
	(tag) =	ssettag s2;
	_ =	strace s9  }
0x27: {  	s1 =	sld [smem:$0x3FA7]  }
0x28: {  	s2 =	sld [smem:$0x3FA8]  }
0x29: {  	s4 =	sld [smem:$0x3FAA]  }
0x2a: {  	p0 =	seq.s32 s5, $0x0;
	s5 =	sld [smem:$0x3FAB]  }
0x2b: {  	s6 =	sld [smem:$0x3FAC]  }
0x2c: {  	s7 =	sld [smem:$0x3FAD]  }
0x2d: {  	s3 =	simm.s32 $0x108;
	s8 =	sld [smem:$0x3FAE]  }
0x2e: {  	s3 =	simm.s32 @!p0 $0x1082;
	s9 =	sld [smem:$0x3FAF]  }
0x2f: {  	lr =	sadd.s32 s0, s3;
	s0 =	sld [smem:$0x3FA6]  }
0x30: {  	s3 =	sld [smem:$0x3FA9]  }
0x31: {  	[smem:$0x3FB2] =	sst s10  }
0x32: {  	s10 =	sld [smem:$0x3FB0];
	_ =	sdelay $0x3  }
0x33: {  	p0 =	seq.s32 s10, $0x1;
	s10 =	sld [smem:$0x3FB2];
	_ =	sdelay $0x3  }
0x34: {  	[smem:$0x3FB2] =	sst s10  }
0x35: {  	s10 =	sld [smem:$0x3FB1];
	_ =	sdelay $0x3  }
0x36: {  	p1 =	seq.s32 s10, $0x1;
	s10 =	sld [smem:$0x3FB2];
	_ =	sdelay $0x3  }
0x37: {  	[smem:$0x3FB2] =	sst s10  }
0x38: {  	s10 =	sld [smem:$0x3FB3]  }
0x39: {  	_ = 	snop;
	(pc) =	sbr.ind lr, $3  }
0x3a: {  	_ = 	snop  }
0x3b: {  	_ = 	snop  }
0x3c: {  	p2 =	seq.s32 s10, $0x1;
	s10 =	sld [smem:$0x3FB2]  }
0x3d: {  	_ =	shalt  }
0x3e: {  	_ =	shalt  }
0x3f: {  	_ =	shalt  }
0x40: {  	_ =	shalt  }
0x41: {  	_ =	shalt  }
0x42: {  	_ =	shalt  }
0x43: {  	_ =	shalt  }
0x44: {  	_ =	shalt  }
0x45: {  	_ =	shalt  }
0x46: {  	_ =	shalt  }
0x47: {  	_ =	shalt  }
0x48: {  	_ =	shalt  }
0x49: {  	_ =	shalt  }
0x4a: {  	_ =	shalt  }
0x4b: {  	_ =	shalt  }
0x4c: {  	_ =	shalt  }
0x4d: {  	_ =	shalt  }
0x4e: {  	_ =	shalt  }
0x4f: {  	_ =	shalt  }
0x50: {  	_ =	shalt  }
0x51: {  	_ =	shalt  }
0x52: {  	_ =	shalt  }
0x53: {  	_ =	shalt  }
0x54: {  	_ =	shalt  }
0x55: {  	_ =	shalt  }
0x56: {  	_ =	shalt  }
0x57: {  	_ =	shalt  }
0x58: {  	_ =	shalt  }
0x59: {  	_ =	shalt  }
0x5a: {  	_ =	shalt  }
0x5b: {  	_ =	shalt  }
0x5c: {  	_ =	shalt  }
0x5d: {  	_ =	shalt  }
0x5e: {  	_ =	shalt  }
0x5f: {  	_ =	shalt  }
0x60: {  	_ =	shalt  }
0x61: {  	_ =	shalt  }
0x62: {  	_ =	shalt  }
0x63: {  	_ =	shalt  }
0x64: {  	_ =	shalt  }
0x65: {  	_ =	shalt  }
0x66: {  	_ =	shalt  }
0x67: {  	_ =	shalt  }
0x68: {  	_ =	shalt  }
0x69: {  	_ =	shalt  }
0x6a: {  	_ =	shalt  }
0x6b: {  	_ =	shalt  }
0x6c: {  	_ =	shalt  }
0x6d: {  	_ =	shalt  }
0x6e: {  	_ =	shalt  }
0x6f: {  	_ =	shalt  }
0x70: {  	_ =	shalt  }
0x71: {  	_ =	shalt  }
0x72: {  	_ =	shalt  }
0x73: {  	_ =	shalt  }
0x74: {  	_ =	shalt  }
0x75: {  	_ =	shalt  }
0x76: {  	_ =	shalt  }
0x77: {  	_ =	shalt  }
0x78: {  	_ =	shalt  }
0x79: {  	_ =	shalt  }
0x7a: {  	_ =	shalt  }
0x7b: {  	_ =	shalt  }
0x7c: {  	_ =	shalt  }
0x7d: {  	_ =	shalt  }
0x7e: {  	_ =	shalt  }
0x7f: {  	_ =	shalt  }
0x80: {  	_ =	shalt  }
0x81: {  	_ =	shalt  }
0x82: {  	_ =	shalt  }
0x83: {  	_ =	shalt  }
0x84: {  	_ =	shalt  }
0x85: {  	_ =	shalt  }
0x86: {  	_ =	shalt  }
0x87: {  	_ =	shalt  }
.Lfunc_end0:
.L_simem_size_0:
called_computation_lowered:
.L_overlay_start_0:
0x88: {  	s2 =	sld [smem:$0x3FD9]  }
0x89: {  	s3 =	sld [smem:$0x3FFE];
	_ =	sdelay $0x1  }
0x8a: {  	s1 =	srdreg.scid  }
0x8b: {  	s0 =	sand.u32 $0x1, s1  }
0x8c: {  	s16 =	sshll.u32 s0, $0xA;
	s2 =	sadd.s32 s3, s2  }
0x8d: {  	s2 =	sadd.s32 s2, s16  }
0x8e: {  	[smem:$0x3FBE] =	sst s2  }
0x8f: {  	_ = 	snop  }
0x90: {  	(tm) =	ssettm $0x1  }
0x91: {  	s17 =	sld [smem:$0x3FFB];
	_ =	sdelay $0x3  }
0x92: {  	_ =	strace s17  }
0x93: {  	s2 =	sld [smem:$0x3FFC];
	_ =	sdelay $0x3  }
0x94: {  	_ =	strace s2  }
0x95: {  	s2 =	sld [smem:$0x3FFD];
	_ =	sdelay $0x3  }
0x96: {  	_ =	strace s2  }
0x97: {  	_ =	strace $0x8FFFFFFF  }
0x98: {  	s18 =	sld [smem:$0x3FDB];
	_ =	sdelay $0x1  }
0x99: {  	s19 =	simm.s32 $_scs_section_size  }
0x9a: {  	s4 =	simm.s32 $_size__tile_overlayer_lowered;
	s5 =	simm.s32 $_tile_overlayer_lowered  }
0x9b: {  	s22 =	simm.s32 $0x1BFF;
	s21 =	sshll.u32 s5, $0x1;
	s2 =	sadd.s32 s19, s18  }
0x9c: {  	s6 =	simm.s32 $0x0;
	s20 =	sshll.u32 s4, $0x1;
	s4 =	sadd.s32 s21, s2  }
0x9d: {  	[timem:s6], [sflag:s22] =	dma.local [hbm:s4], s20  }
0x9e: {  	_ =	swait.ge [sflag:s22], s20  }
0x9f: {  	s3 =	ssub.s32 $0x0, s20;
	[sflag:s22] =	ssyncset.done $0x0  }
0xa0: {  	[sflag:s22] =	ssyncadd.s32 s3;
	_ =	sdelay $0x1  }
0xa1: {  	s23 =	simm.s32 $0x1B8B  }
0xa2: {  	_ =	swait.ge [sflag:s23], $0x1  }
0xa3: {  	[sflag:s23] =	ssyncset.done $0x0  }
0xa4: {  	s25 =	simm.s32 $0x1B8E;
	s24 =	sld [smem:$0x3FFE];
	[sflag:s23] =	ssyncadd.s32 $0xFFFFFFFF  }
0xa5: {  	s26 =	simm.s32 $execute0_lowered;
	[smem:$0x3FD2] =	sst s25  }
0xa6: {  	s4 =	sshll.u32 s26, $0x1;
	_ =	strace $0x80000046;
	[dreg:$0x1] =	wrdreg $0xFFFFFFFF  }
0xa7: {  	s28 =	simm.s32 $_size_execute0_lowered;
	s2 =	sadd.s32 s2, s4;
	[dreg:$0x0] =	wrdreg $0x0  }
0xa8: {  	s4 =	sshll.u32 s28, $0x1;
	[dreg:$0x2] =	wrdreg s2  }
0xa9: {  	[dreg:$0x3] =	wrdreg s4  }
0xaa: {  	[dreg:$0x4] =	wrdreg $0xC0  }
0xab: {  	_ =	task [dreg:s6], $0x5FFFF  }
0xac: {  	[dreg:$0x1] =	wrdreg $0xFFFFFFFF  }
0xad: {  	[dreg:$0x0] =	wrdreg $0x60  }
0xae: {  	[dreg:$0x2] =	wrdreg s24  }
0xaf: {  	[dreg:$0x3] =	wrdreg $0x9  }
0xb0: {  	_ =	task.clear_ibuf [dreg:s6], $0x4FFFF;
	_ =	strace $0x90000046  }
0xb1: {  	s29 =	simm.s32 $0x9;
	_ =	strace $0x80000048  }
0xb2: {  	_ =	swait.ge [sflag:s29], $0x1  }
0xb3: {  	[sflag:s29] =	ssyncadd.s32 $0xFFFFFFFF  }
0xb4: {  	_ =	strace $0x90000048  }
0xb5: {  	_ =	sfence  }
0xb6: {  	s30 =	sld [smem:$0x0];
	_ =	sdelay $0x2  }
0xb7: {  	s31 =	sshll.u32 s1, $0xD;
	s1 =	sshrl.u32 s1, $0x2  }
0xb8: {  	s3 =	sand.u32 $0x4000, s31;
	s1 =	sadd.s32 s1, s30  }
0xb9: {  	s0 =	sor.u32 s3, s0;
	s1 =	sshll.u32 s1, $0x11  }
0xba: {  	s0 =	sor.u32 s1, s0  }
0xbb: {  	s0 =	sadd.s32 $0x8F2B, s0  }
0xbc: {  	[sflag:s0] =	ssyncadd.remote.s32 $0x1  }
0xbd: {  	_ =	sfence.sel $0xFFFF  }
0xbe: {  	[dreg:$0x0] =	wrdreg $0xFFFFFFFF;
	(pc) =	sbr.abs _section_cstart, $3  }
0xbf: {  	[dreg:$0x1] =	wrdreg $0xFFFFFFFF  }
0xc0: {  	_ =	task.clear_ibuf [dreg:s6], $0x2FFFF;
	_ =	strace $0x9FFFFFFF  }
0xc1: {  	(tm) =	ssettm $0x7FFFFFFF  }
tec
execute0_lowered:
.L_overlay_start_1:
0x0: {  	(tag) =	ssettag $0x1  }
0x1: {  	s0 =	rddreg [dreg:$0x0];
	v0 =	vimm.s32 $0xFEDCBA98;
	v1 =	vimm.s32 $0x76543210  }
0x2: {  	s1 =	srdreg.scid;
	s3 =	stileid.u32;
	s2 =	simm.s32 $0x0;
	v2 =	vimm.s32 $0xBA98FEDC;
	v3 =	vimm.s32 $0x32107654;
	v4 =	vimm.s32 $0xDCFE98BA  }
0x3: {  	v5 =	vimm.s32 $0x54761032;
	v6 =	vimm.s32 $0xEFCDAB89;
	s10 =	simm.s32 $0x3;
	s11 =	simm.s32 $0x3400;
	s12 =	simm.s32 $0x6800  }
0x4: {  	v7 =	vimm.s32 $0x67452301;
	s13 =	simm.s32 $0x68;
	s14 =	simm.s32 $0x9C00;
	s15 =	simm.s32 $0xD000  }
0x5: {  	s16 =	simm.s32 $0x10400;
	s17 =	simm.s32 $0xB600;
	s18 =	simm.s32 $0xEA00;
	v0 =	vunpack.c.l.s4.s8 v0;
	v1 =	vunpack.c.l.s4.s8 v1;
	v2 =	vunpack.c.l.s4.s8 v2  }
0x6: {  	s19 =	simm.s32 $0x11E00;
	s20 =	simm.s32 $0x1;
	s21 =	simm.s32 $0x2;
	v3 =	vunpack.c.l.s4.s8 v3;
	v4 =	vunpack.c.l.s4.s8 v4;
	v5 =	vunpack.c.l.s4.s8 v5  }
0x7: {  	s22 =	simm.s32 $0x13800;
	s1 =	sand.u32 $0x1, s1;
	s3 =	sshll.u32 s3, $0x1;
	v6 =	vunpack.c.l.s4.s8 v6;
	v7 =	vunpack.c.l.s4.s8 v7;
	v0 =	vunpack.c.0.s8.s32 v0  }
0x8: {  	s23 =	simm.s32 $0x0;
	[smem:$0x7FF] =	sst s2;
	s5 =	sor.u32 s1, s3;
	v2 =	vunpack.c.0.s8.s32 v2;
	v3 =	vunpack.c.0.s8.s32 v3;
	v4 =	vunpack.c.0.s8.s32 v4  }
0x9: {  	s4 =	sadd.s32 $0xEB600, s0;
	s1 =	ssub.s32 $0x2, s1;
	s6 =	smul.u32 $0x680, s5;
	v5 =	vunpack.c.0.s8.s32 v5;
	v6 =	vunpack.c.0.s8.s32 v6;
	v7 =	vunpack.c.0.s8.s32 v7  }
0xa: {  	_ =	strace $0x80000047;
	s3 =	sadd.s32 $0x1000, s0;
	s31 =	sshrl.u32 s1, $0x1;
	v1 =	vunpack.c.0.s8.s32 v1;
	v2 =	vcombine.low v3, v2  }
0xb: {  	s5 =	sshll.u32 s5, $0x1;
	s1 =	ssub.s32 s1, s31;
	s7 =	sadd.s32 s6, s0;
	v3 =	vcombine.low v5, v4;
	v4 =	vcombine.low v7, v6;
	v0 =	vand.u32 $0xF, v0  }
0xc: {  	s0 =	sadd.s32 s5, s0;
	s9 =	smax.u32 s1, $0x1;
	s5 =	sadd.s32 $0xDE600, s7;
	v0 =	vcombine.low v0, v1  }
0xd: {  	s6 =	sadd.s32 $0xD1600, s7;
	s7 =	sadd.s32 $0xC4600, s7;
	s8 =	sadd.s32 $0xED600, s0;
	v1 =	vand.u32 $0xF, v2;
	v2 =	vand.u32 $0xF, v3;
	v3 =	vand.u32 $0xF, v4  }
.LBB2_1:
0xe: {  	[tilespmem:s2], [sflag:$0x3] =	stream.linear.gather [hbm4b:s5+s2], $0x3400, $0x38;
	[tilespmem:$0x13810] =	vst v63  }
0xf: {  	_ =	swait.ge [sflag:s10], $0x3400  }
0x10: {  	[sflag:s10] =	ssyncset.done $0x0  }
0x11: {  	[sflag:s10] =	ssyncadd.s32 $0xFFFFCC00  }
0x12: {  	[tilespmem:s11], [sflag:$0x3] =	stream.linear.gather [hbm4b:s6+s2], $0x3400, $0x38;
	[tilespmem:$0x13810] =	vst v63  }
0x13: {  	_ =	swait.ge [sflag:s10], $0x3400  }
0x14: {  	[sflag:s10] =	ssyncset.done $0x0  }
0x15: {  	[sflag:s10] =	ssyncadd.s32 $0xFFFFCC00  }
0x16: {  	[tilespmem:s12], [sflag:$0x3] =	stream.linear.gather [hbm4b:s7+s2], $0x3400, $0x38;
	[tilespmem:$0x13810] =	vst v63  }
0x17: {  	_ =	swait.ge [sflag:s10], $0x3400  }
0x18: {  	[sflag:s10] =	ssyncset.done $0x0  }
0x19: {  	[sflag:s10] =	ssyncadd.s32 $0xFFFFCC00  }
0x1a: {  	[tilespmem:s14], [sflag:$0x1] =	stream.indirect.gather [hbm4b:s3+s13], $0x40, s2, s13, $0xb8;
	[tilespmem:$0x13810] =	vst v63  }
0x1b: {  	_ = 	snop  }
0x1c: {  	[tilespmem:s15], [sflag:$0x1] =	stream.indirect.gather [hbm4b:s3+s13], $0x40, s11, s13, $0xb8;
	[tilespmem:$0x13810] =	vst v63  }
0x1d: {  	s24 =	simm.s32 $0x0  }
0x1e: {  	v4 =	vimm.f32 $0.0e+00;
	[tilespmem:s16], [sflag:$0x1] =	stream.indirect.gather [hbm4b:s4+s13], $0x40, s12, s13, $0xb8;
	[tilespmem:$0x13810] =	vst v63  }
.LBB2_2:
0x1f: {  	s25 =	smul.u32 $0xD0, s24;
	_ =	sdelay $0x1  }
0x20: {  	s0 =	sadd.s32 $0x68, s25  }
0x21: {  	[tilespmem:s17], [sflag:$0x2] =	stream.indirect.gather [hbm4b:s3+s13], $0x40, s0, s13, $0xb8;
	[tilespmem:$0x13810] =	vst v63  }
0x22: {  	s26 =	sadd.s32 $0x3468, s25  }
0x23: {  	[tilespmem:s18], [sflag:$0x2] =	stream.indirect.gather [hbm4b:s3+s13], $0x40, s26, s13, $0xb8;
	[tilespmem:$0x13810] =	vst v63  }
0x24: {  	s31 =	sadd.s32 $0x6868, s25  }
0x25: {  	[tilespmem:s19], [sflag:$0x2] =	stream.indirect.gather [hbm4b:s4+s13], $0x40, s31, s13, $0xb8;
	[tilespmem:$0x13810] =	vst v63  }
0x26: {  	_ =	swait.ge [sflag:s20], $0x1A00  }
0x27: {  	[sflag:s20] =	ssyncset.done $0x0  }
0x28: {  	[sflag:s20] =	ssyncadd.s32 $0xFFFFE600  }
0x29: {  	_ =	swait.ge [sflag:s20], $0x1A00  }
0x2a: {  	[sflag:s20] =	ssyncset.done $0x0  }
0x2b: {  	[sflag:s20] =	ssyncadd.s32 $0xFFFFE600  }
0x2c: {  	_ =	swait.ge [sflag:s20], $0x1A00  }
0x2d: {  	s28 =	simm.s32 $0x9C40;
	s29 =	simm.s32 $0xD070;
	[sflag:s20] =	ssyncset.done $0x0  }
0x2e: {  	s30 =	simm.s32 $0x10470;
	s26 =	simm.s32 $0x0;
	[sflag:s20] =	ssyncadd.s32 $0xFFFFE600  }
.LBB2_3:
0x2f: {  	s0 =	smul.u32 $0x680, s26;
	_ =	sdelay $0x1  }
0x30: {  	v18 =	vld [tilespmem:s0+$0x9C00]  }
0x31: {  	v21 =	vmov s28;
	v17 =	vld [tilespmem:s0+$0xD000]  }
0x32: {  	v15 =	vld [tilespmem:s0+$0x9C10]  }
0x33: {  	v16 =	vld [tilespmem:s0+$0xD010]  }
0x34: {  	v23 =	vmov s29;
	v12 =	vld [tilespmem:s0+$0x9C20]  }
0x35: {  	s31 =	simm.s32 $0x0;
	v11 =	vld [tilespmem:s0+$0xD020]  }
0x36: {  	v5 =	vld.idx.msk [tilespmem:v21+s31+$0x30 ss:$0x1], $0xffff  }
0x37: {  	v14 =	vld.idx.msk [tilespmem:v21+s31+$0x20 ss:$0x1], $0xffff  }
0x38: {  	v7 =	vld.idx.msk [tilespmem:v21+s31+$0x0 ss:$0x1], $0xffff  }
0x39: {  	v19 =	vld.idx.msk [tilespmem:v23+s31+$0xFFFFFFD0 ss:$0x1], $0xffff  }
0x3a: {  	v26 =	vld.idx.msk [tilespmem:v21+s31+$0x10 ss:$0x1], $0xffff  }
0x3b: {  	v27 =	vld.idx.msk [tilespmem:v23+s31+$0xFFFFFFE0 ss:$0x1], $0xffff  }
0x3c: {  	v10 =	vld [tilespmem:s0+$0x9C30]  }
0x3d: {  	v9 =	vmov s30;
	v13 =	vld [tilespmem:s0+$0xD030];
	v22 =	vshll.u32 v5, $0x10  }
0x3e: {  	v30 =	vld.idx.msk [tilespmem:v23+s31+$0xFFFFFFF0 ss:$0x1], $0xffff;
	v31 =	vand.u32 $0xFFFF0000, v5;
	v33 =	vshll.u32 v14, $0x10;
	v20 =	vshll.u32 v7, $0x10  }
0x3f: {  	v6 =	vld [tilespmem:s0+$0x10400];
	v5 =	vand.u32 $0xFFFF0000, v7;
	v25 =	vshll.u32 v19, $0x10;
	v19 =	vand.u32 $0xFFFF0000, v19  }
0x40: {  	v32 =	vld.idx.msk [tilespmem:v23+s31+$0x0 ss:$0x1], $0xffff;
	v24 =	vshll.u32 v26, $0x10;
	v26 =	vand.u32 $0xFFFF0000, v26;
	v28 =	vshll.u32 v27, $0x10  }
0x41: {  	v8 =	vld [tilespmem:s0+$0x10410];
	v27 =	vand.u32 $0xFFFF0000, v27;
	v34 =	vmul.f32 v5, v20;
	v35 =	vmul.f32 v19, v25  }
0x42: {  	v63 =	vld.idx.msk [tilespmem:v9+s31+$0xFFFFFFD0 ss:$0x1], $0xffff;
	v14 =	vand.u32 $0xFFFF0000, v14;
	v26 =	vmul.f32 v26, v24;
	v27 =	vmul.f32 v27, v28  }
0x43: {  	v37 =	vld.idx.msk [tilespmem:v9+s31+$0xFFFFFFE0 ss:$0x1], $0xffff;
	v29 =	vshll.u32 v30, $0x10;
	v30 =	vand.u32 $0xFFFF0000, v30;
	v14 =	vmul.f32 v14, v33  }
0x44: {  	v7 =	vld [tilespmem:s0+$0x10420];
	v36 =	vmul.f32 v30, v29;
	v34 =	vsub.f32 v34, v35;
	v26 =	vsub.f32 v26, v27  }
0x45: {  	v5 =	vld [tilespmem:s0+$0x10430];
	v30 =	vshll.u32 v32, $0x10;
	v31 =	vmul.f32 v31, v22;
	v27 =	vand.u32 $0xFFFF0000, v32  }
0x46: {  	v19 =	vld.idx.msk [tilespmem:v9+s31+$0xFFFFFFF0 ss:$0x1], $0xffff;
	s0 =	simm.s32 $0x40;
	v14 =	vsub.f32 v14, v36;
	v27 =	vmul.f32 v27, v30;
	v26 =	vadd.f32 v26, v34  }
0x47: {  	v41 =	vld.idx.msk [tilespmem:v21+s0+$0x30 ss:$0x1], $0xffff  }
0x48: {  	v45 =	vld.idx.msk [tilespmem:v23+s0+$0x0 ss:$0x1], $0xffff;
	v27 =	vsub.f32 v31, v27;
	v26 =	vadd.f32 v14, v26  }
0x49: {  	v46 =	vld.idx.msk [tilespmem:v21+s0+$0x20 ss:$0x1], $0xffff  }
0x4a: {  	v38 =	vld.idx.msk [tilespmem:v23+s0+$0xFFFFFFF0 ss:$0x1], $0xffff;
	v26 =	vadd.f32 v27, v26  }
0x4b: {  	v39 =	vld.idx.msk [tilespmem:v21+s0+$0x0 ss:$0x1], $0xffff  }
0x4c: {  	v40 =	vld.idx.msk [tilespmem:v23+s0+$0xFFFFFFD0 ss:$0x1], $0xffff;
	(xrf2) =	vadd.scan.msk.f32 $0xffff, v26  }
0x4d: {  	v42 =	vld.idx.msk [tilespmem:v21+s0+$0x10 ss:$0x1], $0xffff;
	v36 =	vshll.u32 v63, $0x10;
	v31 =	vand.u32 $0xFFFF0000, v63;
	v35 =	vshll.u32 v19, $0x10  }
0x4e: {  	v44 =	vld.idx.msk [tilespmem:v23+s0+$0xFFFFFFE0 ss:$0x1], $0xffff;
	v14 =	vimm.f32 $0.0e+00;
	v32 =	vshll.u32 v41, $0x10;
	v43 =	vand.u32 $0xFFFF0000, v41  }
0x4f: {  	v34 =	vshll.u32 v45, $0x10;
	v41 =	vand.u32 $0xFFFF0000, v45;
	v45 =	vand.u32 $0xFFFF0000, v46  }
0x50: {  	s1 =	simm.s32 $0x200;
	v27 =	vand.u32 $0xFFFF0000, v37;
	v37 =	vshll.u32 v37, $0x10;
	v26 =	vshll.u32 v46, $0x10  }
.LBB2_4:
0x51: {  	p0 =	sne.s32 s1, $0x1800;
	v46 =	vshll.u32 v39, $0x10;
	v47 =	vshll.u32 v38, $0x10;
	v38 =	vand.u32 $0xFFFF0000, v38  }
0x52: {  	v39 =	vand.u32 $0xFFFF0000, v39;
	v48 =	vshll.u32 v40, $0x10;
	v40 =	vand.u32 $0xFFFF0000, v40  }
0x53: {  	v49 =	vshll.u32 v42, $0x10;
	v42 =	vand.u32 $0xFFFF0000, v42;
	v50 =	vshll.u32 v44, $0x10  }
0x54: {  	v43 =	vmul.f32 v43, v32;
	v51 =	vsub.f32 v22, v30;
	v22 =	vmovc v32;
	v30 =	vmovc v34;
	v44 =	vand.u32 $0xFFFF0000, v44  }
0x55: {  	v32 =	vmul.f32 v45, v26;
	v33 =	vsub.f32 v33, v29;
	v34 =	vmul.f32 v41, v30;
	v41 =	vld.idx.msk [tilespmem:v9+s31+$0x0 ss:$0x1], $0xffff;
	s31 =	smov.u32 s0  }
0x56: {  	v45 =	vsub.f32 v20, v25;
	v39 =	vmul.f32 v39, v46;
	v38 =	vmul.f32 v38, v47;
	v20, _, _ =	vpop (xrf2)  }
0x57: {  	v24 =	vsub.f32 v24, v28;
	v40 =	vmul.f32 v40, v48;
	v29 =	vmovc v47;
	v52 =	vbroadcast v20, $0xF;
	v20 =	vmovc v46  }
0x58: {  	v28 =	vmul.f32 v42, v49;
	v25 =	vmovc v48;
	v42 =	vmul.f32 v44, v50;
	v34 =	vsub.f32 v43, v34  }
0x59: {  	v32 =	vsub.f32 v32, v38;
	v43 =	vld.idx.msk [tilespmem:v9+s31+$0xFFFFFFF0 ss:$0x1], $0xffff;
	v36 =	vmul.f32 v36, v52;
	v37 =	vmul.f32 v37, v52  }
0x5a: {  	v38 =	vsub.f32 v39, v40;
	v40 =	vsub.f32 v28, v42;
	v35 =	vmul.f32 v35, v52;
	v46 =	vld.idx.msk [tilespmem:v9+s31+$0xFFFFFFD0 ss:$0x1], $0xffff  }
0x5b: {  	s0 =	sshra.s32 s1, $0x2;
	v39 =	vshll.u32 v41, $0x10;
	v47 =	vld.idx.msk [tilespmem:v9+s31+$0xFFFFFFE0 ss:$0x1], $0xffff;
	v36 =	vadd.f32 v36, v45;
	v37 =	vadd.f32 v37, v24;
	v24 =	vmovc v49  }
0x5c: {  	v38 =	vadd.f32 v40, v38;
	v35 =	vadd.f32 v35, v33;
	v39 =	vmul.f32 v39, v52;
	v45 =	vld.idx.msk [tilespmem:v21+s0+$0x30 ss:$0x1], $0xffff  }
0x5d: {  	v28 =	vmovc v50;
	v33 =	vmov v26;
	v48 =	vld.idx.msk [tilespmem:v23+s0+$0x0 ss:$0x1], $0xffff;
	v31 =	vadd.f32 v31, v36;
	v27 =	vadd.f32 v27, v37  }
0x5e: {  	v26 =	vadd.f32 v32, v38;
	v36 =	vand.u32 $0xFFFF0000, v19;
	v32 =	vadd.f32 v39, v51;
	v49 =	vld.idx.msk [tilespmem:v21+s0+$0x20 ss:$0x1], $0xffff  }
0x5f: {  	v35 =	vadd.f32 v36, v35;
	v19 =	vmovc v43;
	v38 =	vld.idx.msk [tilespmem:v23+s0+$0xFFFFFFF0 ss:$0x1], $0xffff;
	v31 =	vand.u32 $0x7FFFFFFF, v31;
	v27 =	vand.u32 $0x7FFFFFFF, v27  }
0x60: {  	v26 =	vadd.f32 v34, v26;
	v39 =	vld.idx.msk [tilespmem:v21+s0+$0x0 ss:$0x1], $0xffff;
	v34 =	vadd.f32 v27, v31;
	v27 =	vand.u32 $0xFFFF0000, v41  }
0x61: {  	v35 =	vand.u32 $0x7FFFFFFF, v35;
	v40 =	vld.idx.msk [tilespmem:v23+s0+$0xFFFFFFD0 ss:$0x1], $0xffff;
	v32 =	vadd.f32 v27, v32  }
.Ltmp0:
0x62: {  	v31 =	vand.u32 $0xFFFF0000, v46;
	v27 =	vand.u32 $0xFFFF0000, v47;
	v42 =	vld.idx.msk [tilespmem:v21+s0+$0x10 ss:$0x1], $0xffff;
	(xrf2) =	vadd.scan.msk.f32 $0xffff, v26;
	v26 =	vadd.f32 v34, v35;
	(pc) =	sbr.rel @p0 .LBB2_4-.Ltmp0, $4  }
0x63: {  	v36 =	vshll.u32 v46, $0x10;
	v35 =	vshll.u32 v19, $0x10;
	v44 =	vld.idx.msk [tilespmem:v23+s0+$0xFFFFFFE0 ss:$0x1], $0xffff;
	v34 =	vand.u32 $0x7FFFFFFF, v32  }
0x64: {  	v37 =	vshll.u32 v47, $0x10;
	v32 =	vshll.u32 v45, $0x10;
	v46 =	vadd.f32 v26, v34  }
0x65: {  	v43 =	vand.u32 $0xFFFF0000, v45;
	v41 =	vand.u32 $0xFFFF0000, v48;
	v34 =	vshll.u32 v48, $0x10  }
0x66: {  	s1 =	sadd.s32 $0x100, s1;
	v45 =	vand.u32 $0xFFFF0000, v49;
	v26 =	vshll.u32 v49, $0x10;
	v14 =	vadd.f32 v46, v14  }
0x67: {  	v21 =	vshll.u32 v39, $0x10;
	v23 =	vshll.u32 v38, $0x10  }
0x68: {  	v52 =	vand.u32 $0xFFFF0000, v39;
	v46 =	vshll.u32 v40, $0x10;
	v53 =	vand.u32 $0xFFFF0000, v40  }
0x69: {  	v47 =	vshll.u32 v42, $0x10;
	v54 =	vand.u32 $0xFFFF0000, v42;
	v56 =	vand.u32 $0xFFFF0000, v38  }
0x6a: {  	v43 =	vmul.f32 v43, v32;
	v22 =	vsub.f32 v22, v30;
	v57 =	vmul.f32 v45, v26  }
0x6b: {  	v41 =	vmul.f32 v41, v34;
	v29 =	vsub.f32 v33, v29;
	v48 =	vshll.u32 v44, $0x10  }
0x6c: {  	v55 =	vand.u32 $0xFFFF0000, v44;
	v39 =	vmul.f32 v52, v21;
	v40 =	vmul.f32 v53, v46  }
0x6d: {  	v20 =	vsub.f32 v20, v25;
	v42 =	vmul.f32 v54, v47;
	v44 =	vmul.f32 v55, v48  }
0x6e: {  	v63 =	vand.u32 $0xFFFF0000, v18;
	v45 =	vand.u32 $0xFFFF0000, v15;
	v49 =	vand.u32 $0xFFFF0000, v16  }
0x6f: {  	v38 =	vmul.f32 v56, v23;
	v39 =	vsub.f32 v39, v40;
	v59 =	vsub.f32 v42, v44  }
0x70: {  	v24 =	vsub.f32 v24, v28;
	v62 =	vsub.f32 v43, v41;
	v41 =	vshll.u32 v15, $0x10  }
0x71: {  	v30 =	vsub.f32 v57, v38;
	v38 =	vshll.u32 v18, $0x10;
	v61 =	vadd.f32 v59, v39  }
0x72: {  	v40 =	vshll.u32 v17, $0x10;
	v15 =	vmul.f32 v45, v41;
	v44 =	vand.u32 $0xFFFF0000, v17  }
0x73: {  	v18 =	vmul.f32 v63, v38;
	v42 =	vshll.u32 v16, $0x10;
	v30 =	vadd.f32 v30, v61  }
0x74: {  	v28 =	vshll.u32 v10, $0x10;
	v58, _, _ =	vpop (xrf2);
	v17 =	vmul.f32 v44, v40;
	v16 =	vmul.f32 v49, v42  }
0x75: {  	v19 =	vand.u32 $0xFFFF0000, v19;
	v60 =	vbroadcast v58, $0xF;
	v25 =	vadd.f32 v62, v30  }
0x76: {  	v56 =	vand.u32 $0xFFFF0000, v11;
	v17 =	vsub.f32 v18, v17;
	v15 =	vsub.f32 v15, v16  }
0x77: {  	v55 =	vand.u32 $0xFFFF0000, v12;
	v57 =	vand.u32 $0xFFFF0000, v10;
	v50 =	vmul.f32 v35, v60;
	(xrf2) =	vadd.scan.msk.f32 $0xffff, v25  }
0x78: {  	v15 =	vadd.f32 v15, v17;
	v17 =	vshll.u32 v12, $0x10;
	v25 =	vshll.u32 v11, $0x10  }
0x79: {  	v58 =	vand.u32 $0xFFFF0000, v13;
	v12 =	vmul.f32 v55, v17;
	v11 =	vmul.f32 v56, v25  }
0x7a: {  	v39 =	vld.idx.msk [tilespmem:v9+s31+$0x0 ss:$0x1], $0xffff;
	v36 =	vmul.f32 v36, v60;
	v53 =	vadd.f32 v50, v29;
	v29 =	vshll.u32 v13, $0x10  }
0x7b: {  	v10 =	vmul.f32 v57, v28;
	v59 =	vmul.f32 v58, v29;
	v11 =	vsub.f32 v12, v11  }
0x7c: {  	v43 =	vsub.f32 v26, v23;
	v37 =	vmul.f32 v37, v60;
	v20 =	vadd.f32 v36, v20  }
0x7d: {  	v57 =	vand.u32 $0xFFFF0000, v8;
	v10 =	vsub.f32 v10, v59;
	v11 =	vadd.f32 v11, v15  }
0x7e: {  	v61 =	vld.idx.msk [tilespmem:v9+s0+$0xFFFFFFD0 ss:$0x1], $0xffff;
	v52 =	vadd.f32 v37, v24;
	v37 =	vsub.f32 v21, v46;
	v50 =	vshll.u32 v6, $0x10  }
0x7f: {  	v62 =	vld.idx.msk [tilespmem:v9+s0+$0xFFFFFFE0 ss:$0x1], $0xffff;
	v6 =	vand.u32 $0xFFFF0000, v6;
	v51 =	vshll.u32 v39, $0x10;
	v10 =	vadd.f32 v10, v11  }
0x80: {  	v54 =	vmul.f32 v51, v60;
	v20 =	vadd.f32 v31, v20;
	v16 =	vadd.f32 v27, v52  }
0x81: {  	v18 =	vadd.f32 v19, v53;
	v51 =	vsub.f32 v38, v40;
	v52 =	vshll.u32 v8, $0x10;
	v30, _, _ =	vpop (xrf2);
	(xrf2) =	vadd.scan.msk.f32 $0xffff, v10  }
0x82: {  	v53 =	vsub.f32 v41, v42;
	v63 =	vand.u32 $0x7FFFFFFF, v20;
	v16 =	vand.u32 $0x7FFFFFFF, v16  }
0x83: {  	v31 =	vshll.u32 v61, $0x10;
	v15 =	vadd.f32 v16, v63;
	v16 =	vbroadcast v30, $0xF  }
0x84: {  	v36 =	vld.idx.msk [tilespmem:v9+s0+$0x0 ss:$0x1], $0xffff;
	v58 =	vsub.f32 v17, v25;
	v20 =	vand.u32 $0xFFFF0000, v39;
	v35 =	vshll.u32 v62, $0x10  }
0x85: {  	v60 =	vld.idx.msk [tilespmem:v9+s0+$0xFFFFFFF0 ss:$0x1], $0xffff;
	v39 =	vsub.f32 v47, v48;
	v10 =	vmul.f32 v31, v16;
	v19 =	vmul.f32 v35, v16  }
0x86: {  	v44 =	vand.u32 $0xFFFF0000, v61;
	v22 =	vadd.f32 v54, v22;
	v47 =	vsub.f32 v32, v34  }
0x87: {  	v27 =	vand.u32 $0x7FFFFFFF, v18;
	v10 =	vadd.f32 v10, v37;
	v19 =	vadd.f32 v19, v39  }
0x88: {  	v12 =	vand.u32 $0xFFFF0000, v62;
	v11 =	vadd.f32 v20, v22;
	v15 =	vadd.f32 v15, v27  }
0x89: {  	v56 =	vshll.u32 v7, $0x10;
	v10 =	vadd.f32 v44, v10;
	v12 =	vadd.f32 v12, v19  }
0x8a: {  	v46 =	vshll.u32 v36, $0x10;
	v33 =	vshll.u32 v60, $0x10;
	v11 =	vand.u32 $0x7FFFFFFF, v11  }
0x8b: {  	v11 =	vadd.f32 v15, v11;
	v10 =	vand.u32 $0x7FFFFFFF, v10;
	v12 =	vand.u32 $0x7FFFFFFF, v12;
	v49, _, _ =	vpop (xrf2)  }
0x8c: {  	v15 =	vmul.f32 v46, v16;
	v10 =	vadd.f32 v12, v10;
	v12 =	vbroadcast v49, $0xF  }
0x8d: {  	v59 =	vshll.u32 v5, $0x10;
	v61 =	vsub.f32 v28, v29;
	v18 =	vmul.f32 v33, v16  }
0x8e: {  	v7 =	vand.u32 $0xFFFF0000, v7;
	v48 =	vadd.f32 v15, v47;
	v15 =	vmul.f32 v50, v12  }
0x8f: {  	v9 =	vand.u32 $0xFFFF0000, v36;
	v45 =	vadd.f32 v18, v43;
	v18 =	vmul.f32 v52, v12  }
0x90: {  	v13 =	vand.u32 $0xFFFF0000, v60;
	v11 =	vadd.f32 v11, v14;
	v54 =	vadd.f32 v15, v51  }
0x91: {  	v13 =	vadd.f32 v13, v45;
	v55 =	vadd.f32 v18, v53;
	v15 =	vmul.f32 v56, v12  }
0x92: {  	v9 =	vadd.f32 v9, v48;
	v12 =	vmul.f32 v59, v12;
	v6 =	vadd.f32 v6, v54  }
0x93: {  	v13 =	vand.u32 $0x7FFFFFFF, v13;
	v8 =	vadd.f32 v57, v55;
	v60 =	vadd.f32 v15, v58  }
0x94: {  	v9 =	vand.u32 $0x7FFFFFFF, v9;
	v10 =	vadd.f32 v10, v13;
	v12 =	vadd.f32 v12, v61  }
0x95: {  	v6 =	vand.u32 $0x7FFFFFFF, v6;
	v8 =	vand.u32 $0x7FFFFFFF, v8;
	v7 =	vadd.f32 v7, v60  }
0x96: {  	v5 =	vand.u32 $0xFFFF0000, v5;
	v9 =	vadd.f32 v10, v9;
	v6 =	vadd.f32 v8, v6  }
0x97: {  	v5 =	vadd.f32 v5, v12;
	v7 =	vand.u32 $0x7FFFFFFF, v7  }
0x98: {  	v62 =	vadd.f32 v9, v11;
	v6 =	vadd.f32 v6, v7  }
0x99: {  	v5 =	vand.u32 $0x7FFFFFFF, v5  }
0x9a: {  	v5 =	vadd.f32 v6, v5;
	v6 =	vperm.xlane v62, v0;
	_ =	sdelay $0x1  }
0x9b: {  	v7 =	vperm.xlane v5, v0;
	v6 =	vadd.f32 v6, v62;
	_ =	sdelay $0x1  }
0x9c: {  	v5 =	vadd.f32 v7, v5;
	v7 =	vperm.xlane v6, v1;
	_ =	sdelay $0x1  }
0x9d: {  	v63 =	vperm.xlane v5, v1;
	v6 =	vadd.f32 v7, v6;
	_ =	sdelay $0x1  }
0x9e: {  	v5 =	vadd.f32 v63, v5;
	v7 =	vperm.xlane v6, v2;
	_ =	sdelay $0x1  }
0x9f: {  	v8 =	vperm.xlane v5, v2;
	v6 =	vadd.f32 v7, v6;
	_ =	sdelay $0x1  }
0xa0: {  	v5 =	vadd.f32 v8, v5;
	v7 =	vperm.xlane v6, v3;
	_ =	sdelay $0x1  }
0xa1: {  	v8 =	vperm.xlane v5, v3;
	v6 =	vadd.f32 v7, v6;
	_ =	sdelay $0x1  }
0xa2: {  	v5 =	vadd.f32 v8, v5;
	v6 =	vmul.f32 $-3.999999910e-02, v6  }
0xa3: {  	s26 =	sadd.s32 $0x1, s26  }
0xa4: {  	p0 =	sne.s32 s26, $0x4;
	v5 =	vadd.f32 v6, v5  }
.Ltmp1:
0xa5: {  	_ = 	snop;
	(pc) =	sbr.rel @p0 .LBB2_3-.Ltmp1, $3  }
0xa6: {  	v5 =	vadd.f32 $1.000000000e+00, v5;
	_ =	sdelay $0x1  }
0xa7: {  	v5 =	vmax.f32 v5, $0.0e+00  }
0xa8: {  	s28 =	sadd.s32 $0x680, s28;
	s29 =	sadd.s32 $0x680, s29;
	s30 =	sadd.s32 $0x680, s30;
	v4 =	vadd.f32 v5, v4  }
0xa9: {  	p0 =	seq.s32 s24, $0x3F  }
0xaa: {  	s0 =	sadd.s32 @!p0 $0xD0, s25;
	s1 =	simm.s32 @!p0 $0x68;
	s26 =	simm.s32 @!p0 $0x9C00  }
0xab: {  	[tilespmem:s26], [sflag:$0x1] =	stream.indirect.gather @!p0 [hbm4b:s3+s1], $0x40, s0, s1, $0xb8;
	[tilespmem:$0x13810] =	vst v63  }
0xac: {  	s0 =	sadd.s32 @!p0 $0x34D0, s25;
	s26 =	simm.s32 @!p0 $0xD000  }
0xad: {  	[tilespmem:s26], [sflag:$0x1] =	stream.indirect.gather @!p0 [hbm4b:s3+s1], $0x40, s0, s1, $0xb8;
	[tilespmem:$0x13810] =	vst v63  }
0xae: {  	s0 =	sadd.s32 @!p0 $0x68D0, s25;
	s25 =	simm.s32 @!p0 $0x10400  }
0xaf: {  	[tilespmem:s25], [sflag:$0x1] =	stream.indirect.gather @!p0 [hbm4b:s4+s1], $0x40, s0, s1, $0xb8;
	[tilespmem:$0x13810] =	vst v63  }
0xb0: {  	_ =	swait.ge [sflag:s21], $0x1A00  }
0xb1: {  	[sflag:s21] =	ssyncset.done $0x0  }
0xb2: {  	[sflag:s21] =	ssyncadd.s32 $0xFFFFE600  }
0xb3: {  	_ =	swait.ge [sflag:s21], $0x1A00  }
0xb4: {  	[sflag:s21] =	ssyncset.done $0x0  }
0xb5: {  	[sflag:s21] =	ssyncadd.s32 $0xFFFFE600  }
0xb6: {  	_ =	swait.ge [sflag:s21], $0x1A00  }
0xb7: {  	s28 =	simm.s32 $0xEA70;
	s29 =	simm.s32 $0xB670;
	[sflag:s21] =	ssyncset.done $0x0  }
0xb8: {  	s26 =	simm.s32 $0x11E40;
	s25 =	simm.s32 $0x0;
	[sflag:s21] =	ssyncadd.s32 $0xFFFFE600  }
.LBB2_7:
0xb9: {  	s0 =	smul.u32 $0x680, s25;
	_ =	sdelay $0x1  }
0xba: {  	v18 =	vld [tilespmem:s0+$0xB600]  }
0xbb: {  	v21 =	vmov s29;
	v17 =	vld [tilespmem:s0+$0xEA00]  }
0xbc: {  	v15 =	vld [tilespmem:s0+$0xB610]  }
0xbd: {  	v16 =	vld [tilespmem:s0+$0xEA10]  }
0xbe: {  	v23 =	vmov s28;
	v12 =	vld [tilespmem:s0+$0xB620]  }
0xbf: {  	s30 =	simm.s32 $0x0;
	v11 =	vld [tilespmem:s0+$0xEA20]  }
0xc0: {  	v5 =	vld.idx.msk [tilespmem:v21+s30+$0x0 ss:$0x1], $0xffff  }
0xc1: {  	v14 =	vld.idx.msk [tilespmem:v21+s30+$0xFFFFFFF0 ss:$0x1], $0xffff  }
0xc2: {  	v7 =	vld.idx.msk [tilespmem:v21+s30+$0xFFFFFFD0 ss:$0x1], $0xffff  }
0xc3: {  	v19 =	vld.idx.msk [tilespmem:v23+s30+$0xFFFFFFD0 ss:$0x1], $0xffff  }
0xc4: {  	v26 =	vld.idx.msk [tilespmem:v21+s30+$0xFFFFFFE0 ss:$0x1], $0xffff  }
0xc5: {  	v27 =	vld.idx.msk [tilespmem:v23+s30+$0xFFFFFFE0 ss:$0x1], $0xffff  }
0xc6: {  	v10 =	vld [tilespmem:s0+$0xB630]  }
0xc7: {  	v9 =	vmov s26;
	v13 =	vld [tilespmem:s0+$0xEA30];
	v22 =	vshll.u32 v5, $0x10  }
0xc8: {  	v30 =	vld.idx.msk [tilespmem:v23+s30+$0xFFFFFFF0 ss:$0x1], $0xffff;
	v31 =	vand.u32 $0xFFFF0000, v5;
	v33 =	vshll.u32 v14, $0x10;
	v20 =	vshll.u32 v7, $0x10  }
0xc9: {  	v6 =	vld [tilespmem:s0+$0x11E00];
	v5 =	vand.u32 $0xFFFF0000, v7;
	v25 =	vshll.u32 v19, $0x10;
	v19 =	vand.u32 $0xFFFF0000, v19  }
0xca: {  	v32 =	vld.idx.msk [tilespmem:v23+s30+$0x0 ss:$0x1], $0xffff;
	v24 =	vshll.u32 v26, $0x10;
	v26 =	vand.u32 $0xFFFF0000, v26;
	v28 =	vshll.u32 v27, $0x10  }
0xcb: {  	v8 =	vld [tilespmem:s0+$0x11E10];
	v27 =	vand.u32 $0xFFFF0000, v27;
	v34 =	vmul.f32 v5, v20;
	v35 =	vmul.f32 v19, v25  }
0xcc: {  	v63 =	vld.idx.msk [tilespmem:v9+s30+$0x0 ss:$0x1], $0xffff;
	v14 =	vand.u32 $0xFFFF0000, v14;
	v26 =	vmul.f32 v26, v24;
	v27 =	vmul.f32 v27, v28  }
0xcd: {  	v37 =	vld.idx.msk [tilespmem:v9+s30+$0x10 ss:$0x1], $0xffff;
	v29 =	vshll.u32 v30, $0x10;
	v30 =	vand.u32 $0xFFFF0000, v30;
	v14 =	vmul.f32 v14, v33  }
0xce: {  	v7 =	vld [tilespmem:s0+$0x11E20];
	v36 =	vmul.f32 v30, v29;
	v34 =	vsub.f32 v34, v35;
	v26 =	vsub.f32 v26, v27  }
0xcf: {  	v5 =	vld [tilespmem:s0+$0x11E30];
	v30 =	vshll.u32 v32, $0x10;
	v31 =	vmul.f32 v31, v22;
	v27 =	vand.u32 $0xFFFF0000, v32  }
0xd0: {  	v19 =	vld.idx.msk [tilespmem:v9+s30+$0x20 ss:$0x1], $0xffff;
	s0 =	simm.s32 $0x40;
	v14 =	vsub.f32 v14, v36;
	v27 =	vmul.f32 v27, v30;
	v26 =	vadd.f32 v26, v34  }
0xd1: {  	v41 =	vld.idx.msk [tilespmem:v21+s0+$0x0 ss:$0x1], $0xffff  }
0xd2: {  	v45 =	vld.idx.msk [tilespmem:v23+s0+$0x0 ss:$0x1], $0xffff;
	v27 =	vsub.f32 v31, v27;
	v26 =	vadd.f32 v14, v26  }
0xd3: {  	v46 =	vld.idx.msk [tilespmem:v21+s0+$0xFFFFFFF0 ss:$0x1], $0xffff  }
0xd4: {  	v38 =	vld.idx.msk [tilespmem:v23+s0+$0xFFFFFFF0 ss:$0x1], $0xffff;
	v26 =	vadd.f32 v27, v26  }
0xd5: {  	v39 =	vld.idx.msk [tilespmem:v21+s0+$0xFFFFFFD0 ss:$0x1], $0xffff  }
0xd6: {  	v40 =	vld.idx.msk [tilespmem:v23+s0+$0xFFFFFFD0 ss:$0x1], $0xffff;
	(xrf2) =	vadd.scan.msk.f32 $0xffff, v26  }
0xd7: {  	v42 =	vld.idx.msk [tilespmem:v21+s0+$0xFFFFFFE0 ss:$0x1], $0xffff;
	v36 =	vshll.u32 v63, $0x10;
	v31 =	vand.u32 $0xFFFF0000, v63;
	v35 =	vshll.u32 v19, $0x10  }
0xd8: {  	v44 =	vld.idx.msk [tilespmem:v23+s0+$0xFFFFFFE0 ss:$0x1], $0xffff;
	v14 =	vimm.f32 $0.0e+00;
	v32 =	vshll.u32 v41, $0x10;
	v43 =	vand.u32 $0xFFFF0000, v41  }
0xd9: {  	v34 =	vshll.u32 v45, $0x10;
	v41 =	vand.u32 $0xFFFF0000, v45;
	v45 =	vand.u32 $0xFFFF0000, v46  }
0xda: {  	s1 =	simm.s32 $0x200;
	v27 =	vand.u32 $0xFFFF0000, v37;
	v37 =	vshll.u32 v37, $0x10;
	v26 =	vshll.u32 v46, $0x10  }
.LBB2_8:
0xdb: {  	p0 =	sne.s32 s1, $0x1800;
	v46 =	vshll.u32 v39, $0x10;
	v47 =	vshll.u32 v38, $0x10;
	v38 =	vand.u32 $0xFFFF0000, v38  }
0xdc: {  	v39 =	vand.u32 $0xFFFF0000, v39;
	v48 =	vshll.u32 v40, $0x10;
	v40 =	vand.u32 $0xFFFF0000, v40  }
0xdd: {  	v49 =	vshll.u32 v42, $0x10;
	v42 =	vand.u32 $0xFFFF0000, v42;
	v50 =	vshll.u32 v44, $0x10  }
0xde: {  	v43 =	vmul.f32 v43, v32;
	v51 =	vsub.f32 v22, v30;
	v22 =	vmovc v32;
	v30 =	vmovc v34;
	v44 =	vand.u32 $0xFFFF0000, v44  }
0xdf: {  	v32 =	vmul.f32 v45, v26;
	v33 =	vsub.f32 v33, v29;
	v34 =	vmul.f32 v41, v30;
	v41 =	vld.idx.msk [tilespmem:v9+s30+$0x30 ss:$0x1], $0xffff;
	s30 =	smov.u32 s0  }
0xe0: {  	v45 =	vsub.f32 v20, v25;
	v39 =	vmul.f32 v39, v46;
	v38 =	vmul.f32 v38, v47;
	v20, _, _ =	vpop (xrf2)  }
0xe1: {  	v24 =	vsub.f32 v24, v28;
	v40 =	vmul.f32 v40, v48;
	v29 =	vmovc v47;
	v52 =	vbroadcast v20, $0xF;
	v20 =	vmovc v46  }
0xe2: {  	v28 =	vmul.f32 v42, v49;
	v25 =	vmovc v48;
	v42 =	vmul.f32 v44, v50;
	v34 =	vsub.f32 v43, v34  }
0xe3: {  	v32 =	vsub.f32 v32, v38;
	v43 =	vld.idx.msk [tilespmem:v9+s30+$0x20 ss:$0x1], $0xffff;
	v36 =	vmul.f32 v36, v52;
	v37 =	vmul.f32 v37, v52  }
0xe4: {  	v38 =	vsub.f32 v39, v40;
	v40 =	vsub.f32 v28, v42;
	v35 =	vmul.f32 v35, v52;
	v46 =	vld.idx.msk [tilespmem:v9+s30+$0x0 ss:$0x1], $0xffff  }
0xe5: {  	s0 =	sshra.s32 s1, $0x2;
	v39 =	vshll.u32 v41, $0x10;
	v47 =	vld.idx.msk [tilespmem:v9+s30+$0x10 ss:$0x1], $0xffff;
	v36 =	vadd.f32 v36, v45;
	v37 =	vadd.f32 v37, v24;
	v24 =	vmovc v49  }
0xe6: {  	v38 =	vadd.f32 v40, v38;
	v35 =	vadd.f32 v35, v33;
	v39 =	vmul.f32 v39, v52;
	v45 =	vld.idx.msk [tilespmem:v21+s0+$0x0 ss:$0x1], $0xffff  }
0xe7: {  	v28 =	vmovc v50;
	v33 =	vmov v26;
	v48 =	vld.idx.msk [tilespmem:v23+s0+$0x0 ss:$0x1], $0xffff;
	v31 =	vadd.f32 v31, v36;
	v27 =	vadd.f32 v27, v37  }
0xe8: {  	v26 =	vadd.f32 v32, v38;
	v36 =	vand.u32 $0xFFFF0000, v19;
	v32 =	vadd.f32 v39, v51;
	v49 =	vld.idx.msk [tilespmem:v21+s0+$0xFFFFFFF0 ss:$0x1], $0xffff  }
0xe9: {  	v35 =	vadd.f32 v36, v35;
	v19 =	vmovc v43;
	v38 =	vld.idx.msk [tilespmem:v23+s0+$0xFFFFFFF0 ss:$0x1], $0xffff;
	v31 =	vand.u32 $0x7FFFFFFF, v31;
	v27 =	vand.u32 $0x7FFFFFFF, v27  }
0xea: {  	v26 =	vadd.f32 v34, v26;
	v39 =	vld.idx.msk [tilespmem:v21+s0+$0xFFFFFFD0 ss:$0x1], $0xffff;
	v34 =	vadd.f32 v27, v31;
	v27 =	vand.u32 $0xFFFF0000, v41  }
0xeb: {  	v35 =	vand.u32 $0x7FFFFFFF, v35;
	v40 =	vld.idx.msk [tilespmem:v23+s0+$0xFFFFFFD0 ss:$0x1], $0xffff;
	v32 =	vadd.f32 v27, v32  }
.Ltmp2:
0xec: {  	v31 =	vand.u32 $0xFFFF0000, v46;
	v27 =	vand.u32 $0xFFFF0000, v47;
	v42 =	vld.idx.msk [tilespmem:v21+s0+$0xFFFFFFE0 ss:$0x1], $0xffff;
	(xrf2) =	vadd.scan.msk.f32 $0xffff, v26;
	v26 =	vadd.f32 v34, v35;
	(pc) =	sbr.rel @p0 .LBB2_8-.Ltmp2, $4  }
0xed: {  	v36 =	vshll.u32 v46, $0x10;
	v35 =	vshll.u32 v19, $0x10;
	v44 =	vld.idx.msk [tilespmem:v23+s0+$0xFFFFFFE0 ss:$0x1], $0xffff;
	v34 =	vand.u32 $0x7FFFFFFF, v32  }
0xee: {  	v37 =	vshll.u32 v47, $0x10;
	v32 =	vshll.u32 v45, $0x10;
	v46 =	vadd.f32 v26, v34  }
0xef: {  	v43 =	vand.u32 $0xFFFF0000, v45;
	v41 =	vand.u32 $0xFFFF0000, v48;
	v34 =	vshll.u32 v48, $0x10  }
0xf0: {  	s1 =	sadd.s32 $0x100, s1;
	v45 =	vand.u32 $0xFFFF0000, v49;
	v26 =	vshll.u32 v49, $0x10;
	v14 =	vadd.f32 v46, v14  }
0xf1: {  	v21 =	vshll.u32 v39, $0x10;
	v23 =	vshll.u32 v38, $0x10  }
0xf2: {  	v52 =	vand.u32 $0xFFFF0000, v39;
	v46 =	vshll.u32 v40, $0x10;
	v53 =	vand.u32 $0xFFFF0000, v40  }
0xf3: {  	v47 =	vshll.u32 v42, $0x10;
	v54 =	vand.u32 $0xFFFF0000, v42;
	v56 =	vand.u32 $0xFFFF0000, v38  }
0xf4: {  	v43 =	vmul.f32 v43, v32;
	v22 =	vsub.f32 v22, v30;
	v57 =	vmul.f32 v45, v26  }
0xf5: {  	v41 =	vmul.f32 v41, v34;
	v29 =	vsub.f32 v33, v29;
	v48 =	vshll.u32 v44, $0x10  }
0xf6: {  	v55 =	vand.u32 $0xFFFF0000, v44;
	v39 =	vmul.f32 v52, v21;
	v40 =	vmul.f32 v53, v46  }
0xf7: {  	v20 =	vsub.f32 v20, v25;
	v42 =	vmul.f32 v54, v47;
	v44 =	vmul.f32 v55, v48  }
0xf8: {  	v63 =	vand.u32 $0xFFFF0000, v18;
	v45 =	vand.u32 $0xFFFF0000, v15;
	v49 =	vand.u32 $0xFFFF0000, v16  }
0xf9: {  	v38 =	vmul.f32 v56, v23;
	v39 =	vsub.f32 v39, v40;
	v59 =	vsub.f32 v42, v44  }
0xfa: {  	v24 =	vsub.f32 v24, v28;
	v62 =	vsub.f32 v43, v41;
	v41 =	vshll.u32 v15, $0x10  }
0xfb: {  	v30 =	vsub.f32 v57, v38;
	v38 =	vshll.u32 v18, $0x10;
	v61 =	vadd.f32 v59, v39  }
0xfc: {  	v40 =	vshll.u32 v17, $0x10;
	v15 =	vmul.f32 v45, v41;
	v44 =	vand.u32 $0xFFFF0000, v17  }
0xfd: {  	v18 =	vmul.f32 v63, v38;
	v42 =	vshll.u32 v16, $0x10;
	v30 =	vadd.f32 v30, v61  }
0xfe: {  	v28 =	vshll.u32 v10, $0x10;
	v58, _, _ =	vpop (xrf2);
	v17 =	vmul.f32 v44, v40;
	v16 =	vmul.f32 v49, v42  }
0xff: {  	v19 =	vand.u32 $0xFFFF0000, v19;
	v60 =	vbroadcast v58, $0xF;
	v25 =	vadd.f32 v62, v30  }
0x100: {  	v56 =	vand.u32 $0xFFFF0000, v11;
	v17 =	vsub.f32 v18, v17;
	v15 =	vsub.f32 v15, v16  }
0x101: {  	v55 =	vand.u32 $0xFFFF0000, v12;
	v57 =	vand.u32 $0xFFFF0000, v10;
	v50 =	vmul.f32 v35, v60;
	(xrf2) =	vadd.scan.msk.f32 $0xffff, v25  }
0x102: {  	v15 =	vadd.f32 v15, v17;
	v17 =	vshll.u32 v12, $0x10;
	v25 =	vshll.u32 v11, $0x10  }
0x103: {  	v58 =	vand.u32 $0xFFFF0000, v13;
	v12 =	vmul.f32 v55, v17;
	v11 =	vmul.f32 v56, v25  }
0x104: {  	v39 =	vld.idx.msk [tilespmem:v9+s30+$0x30 ss:$0x1], $0xffff;
	v36 =	vmul.f32 v36, v60;
	v53 =	vadd.f32 v50, v29;
	v29 =	vshll.u32 v13, $0x10  }
0x105: {  	v10 =	vmul.f32 v57, v28;
	v59 =	vmul.f32 v58, v29;
	v11 =	vsub.f32 v12, v11  }
0x106: {  	v43 =	vsub.f32 v26, v23;
	v37 =	vmul.f32 v37, v60;
	v20 =	vadd.f32 v36, v20  }
0x107: {  	v57 =	vand.u32 $0xFFFF0000, v8;
	v10 =	vsub.f32 v10, v59;
	v11 =	vadd.f32 v11, v15  }
0x108: {  	v61 =	vld.idx.msk [tilespmem:v9+s0+$0x0 ss:$0x1], $0xffff;
	v52 =	vadd.f32 v37, v24;
	v37 =	vsub.f32 v21, v46;
	v50 =	vshll.u32 v6, $0x10  }
0x109: {  	v62 =	vld.idx.msk [tilespmem:v9+s0+$0x10 ss:$0x1], $0xffff;
	v6 =	vand.u32 $0xFFFF0000, v6;
	v51 =	vshll.u32 v39, $0x10;
	v10 =	vadd.f32 v10, v11  }
0x10a: {  	v54 =	vmul.f32 v51, v60;
	v20 =	vadd.f32 v31, v20;
	v16 =	vadd.f32 v27, v52  }
0x10b: {  	v18 =	vadd.f32 v19, v53;
	v51 =	vsub.f32 v38, v40;
	v52 =	vshll.u32 v8, $0x10;
	v30, _, _ =	vpop (xrf2);
	(xrf2) =	vadd.scan.msk.f32 $0xffff, v10  }
0x10c: {  	v53 =	vsub.f32 v41, v42;
	v63 =	vand.u32 $0x7FFFFFFF, v20;
	v16 =	vand.u32 $0x7FFFFFFF, v16  }
0x10d: {  	v31 =	vshll.u32 v61, $0x10;
	v15 =	vadd.f32 v16, v63;
	v16 =	vbroadcast v30, $0xF  }
0x10e: {  	v36 =	vld.idx.msk [tilespmem:v9+s0+$0x30 ss:$0x1], $0xffff;
	v58 =	vsub.f32 v17, v25;
	v20 =	vand.u32 $0xFFFF0000, v39;
	v35 =	vshll.u32 v62, $0x10  }
0x10f: {  	v60 =	vld.idx.msk [tilespmem:v9+s0+$0x20 ss:$0x1], $0xffff;
	v39 =	vsub.f32 v47, v48;
	v10 =	vmul.f32 v31, v16;
	v19 =	vmul.f32 v35, v16  }
0x110: {  	v44 =	vand.u32 $0xFFFF0000, v61;
	v22 =	vadd.f32 v54, v22;
	v47 =	vsub.f32 v32, v34  }
0x111: {  	v27 =	vand.u32 $0x7FFFFFFF, v18;
	v10 =	vadd.f32 v10, v37;
	v19 =	vadd.f32 v19, v39  }
0x112: {  	v12 =	vand.u32 $0xFFFF0000, v62;
	v11 =	vadd.f32 v20, v22;
	v15 =	vadd.f32 v15, v27  }
0x113: {  	v56 =	vshll.u32 v7, $0x10;
	v10 =	vadd.f32 v44, v10;
	v12 =	vadd.f32 v12, v19  }
0x114: {  	v46 =	vshll.u32 v36, $0x10;
	v33 =	vshll.u32 v60, $0x10;
	v11 =	vand.u32 $0x7FFFFFFF, v11  }
0x115: {  	v11 =	vadd.f32 v15, v11;
	v10 =	vand.u32 $0x7FFFFFFF, v10;
	v12 =	vand.u32 $0x7FFFFFFF, v12;
	v49, _, _ =	vpop (xrf2)  }
0x116: {  	v15 =	vmul.f32 v46, v16;
	v10 =	vadd.f32 v12, v10;
	v12 =	vbroadcast v49, $0xF  }
0x117: {  	v59 =	vshll.u32 v5, $0x10;
	v61 =	vsub.f32 v28, v29;
	v18 =	vmul.f32 v33, v16  }
0x118: {  	v7 =	vand.u32 $0xFFFF0000, v7;
	v48 =	vadd.f32 v15, v47;
	v15 =	vmul.f32 v50, v12  }
0x119: {  	v9 =	vand.u32 $0xFFFF0000, v36;
	v45 =	vadd.f32 v18, v43;
	v18 =	vmul.f32 v52, v12  }
0x11a: {  	v13 =	vand.u32 $0xFFFF0000, v60;
	v11 =	vadd.f32 v11, v14;
	v54 =	vadd.f32 v15, v51  }
0x11b: {  	v13 =	vadd.f32 v13, v45;
	v55 =	vadd.f32 v18, v53;
	v15 =	vmul.f32 v56, v12  }
0x11c: {  	v9 =	vadd.f32 v9, v48;
	v12 =	vmul.f32 v59, v12;
	v6 =	vadd.f32 v6, v54  }
0x11d: {  	v13 =	vand.u32 $0x7FFFFFFF, v13;
	v8 =	vadd.f32 v57, v55;
	v60 =	vadd.f32 v15, v58  }
0x11e: {  	v9 =	vand.u32 $0x7FFFFFFF, v9;
	v10 =	vadd.f32 v10, v13;
	v12 =	vadd.f32 v12, v61  }
0x11f: {  	v6 =	vand.u32 $0x7FFFFFFF, v6;
	v8 =	vand.u32 $0x7FFFFFFF, v8;
	v7 =	vadd.f32 v7, v60  }
0x120: {  	v5 =	vand.u32 $0xFFFF0000, v5;
	v9 =	vadd.f32 v10, v9;
	v6 =	vadd.f32 v8, v6  }
0x121: {  	v5 =	vadd.f32 v5, v12;
	v7 =	vand.u32 $0x7FFFFFFF, v7  }
0x122: {  	v62 =	vadd.f32 v9, v11;
	v6 =	vadd.f32 v6, v7  }
0x123: {  	v5 =	vand.u32 $0x7FFFFFFF, v5  }
0x124: {  	v5 =	vadd.f32 v6, v5;
	v6 =	vperm.xlane v62, v0;
	_ =	sdelay $0x1  }
0x125: {  	v7 =	vperm.xlane v5, v0;
	v6 =	vadd.f32 v6, v62;
	_ =	sdelay $0x1  }
0x126: {  	v5 =	vadd.f32 v7, v5;
	v7 =	vperm.xlane v6, v1;
	_ =	sdelay $0x1  }
0x127: {  	v63 =	vperm.xlane v5, v1;
	v6 =	vadd.f32 v7, v6;
	_ =	sdelay $0x1  }
0x128: {  	v5 =	vadd.f32 v63, v5;
	v7 =	vperm.xlane v6, v2;
	_ =	sdelay $0x1  }
0x129: {  	v8 =	vperm.xlane v5, v2;
	v6 =	vadd.f32 v7, v6;
	_ =	sdelay $0x1  }
0x12a: {  	v5 =	vadd.f32 v8, v5;
	v7 =	vperm.xlane v6, v3;
	_ =	sdelay $0x1  }
0x12b: {  	v8 =	vperm.xlane v5, v3;
	v6 =	vadd.f32 v7, v6;
	_ =	sdelay $0x1  }
0x12c: {  	v5 =	vadd.f32 v8, v5;
	v6 =	vmul.f32 $-3.999999910e-02, v6  }
0x12d: {  	s25 =	sadd.s32 $0x1, s25  }
0x12e: {  	p0 =	sne.s32 s25, $0x4;
	v5 =	vadd.f32 v6, v5  }
.Ltmp3:
0x12f: {  	_ = 	snop;
	(pc) =	sbr.rel @p0 .LBB2_7-.Ltmp3, $3  }
0x130: {  	v5 =	vadd.f32 $1.000000000e+00, v5;
	_ =	sdelay $0x1  }
0x131: {  	v5 =	vmax.f32 v5, $0.0e+00  }
0x132: {  	s26 =	sadd.s32 $0x680, s26;
	s28 =	sadd.s32 $0x680, s28;
	s29 =	sadd.s32 $0x680, s29;
	v4 =	vadd.f32 v5, v4  }
0x133: {  	s24 =	sadd.s32 $0x1, s24  }
0x134: {  	p0 =	sne.s32 s24, $0x40  }
.Ltmp4:
0x135: {  	_ = 	snop;
	(pc) =	sbr.rel @p0 .LBB2_2-.Ltmp4, $1  }
0x136: {  	_ =	sdelay $0x3  }
0x137: {  	s23 =	sadd.s32 $0x1, s23  }
0x138: {  	p0 =	sne.s32 s23, s9  }
.Ltmp5:
0x139: {  	[tilespmem:$0x13800] =	vst v4;
	(pc) =	sbr.rel @p0 .LBB2_1-.Ltmp5, $4  }
0x13a: {  	[hbm4b:s8+s2] =	stream.linear.scatter [tilespmem:s22], [sflag:$0x3], $0x10, $0x38;
	[tilespmem:$0x13810] =	vst v63  }
0x13b: {  	_ =	swait.ge [sflag:s10], $0x10  }
0x13c: {  	[sflag:s10] =	ssyncset.done $0x0  }
0x13d: {  	[sflag:s10] =	ssyncadd.s32 $0xFFFFFFF0  }
0x13e: {  	_ =	sfence.sel $0x180000  }
0x13f: {  	[bflag:$0x0] =	sbarrier.arrive $0xFFFF  }
0x140: {  	_ =	strace $0x90000047  }
0x141: {  	s0 =	stileid.u32;
	[bflag:$0x2] =	sbarrier.arrive $0xFFFF  }
0x142: {  	p0 =	sne.s32 s0, $0x0;
	s0 =	rddreg [dreg:$0x1]  }
0x143: {  	s0 =	sadd.s32 @!p0 $0x100000, s0  }
0x144: {  	[sflag:s0] =	ssyncadd.tile.s32 @!p0 $0x1;
	_ =	shalt  }
.Lfunc_end2:
_tile_overlayer_lowered:
.L_overlay_start_2:
0x145: {  	(tag) =	ssettag $0x2  }
0x146: {  	s0 =	rddreg [dreg:$0x0];
	s2 =	stileid.u32  }
0x147: {  	s1 =	rddreg [dreg:$0x1];
	p0 =	sne.s32 s2, $0x0  }
0x148: {  	s3 =	rddreg [dreg:$0x2];
	[bflag:$0x3] =	sbarrier.arrive $0xFFFF;
	s2 =	simm.s32 @!p0 $0x1C03  }
0x149: {  	[timem:s3], [sflag:s2] =	dma.local @!p0 [hbm:s0], s1  }
0x14a: {  	s0 =	simm.s32 @!p0 $0x3  }
0x14b: {  	_ =	swait.ge @!p0 [sflag:s0], s1  }
0x14c: {  	s1 =	ssub.s32 @!p0 $0x0, s1;
	[sflag:s0] =	ssyncset.done @!p0 $0x0  }
0x14d: {  	[sflag:s0] =	ssyncadd.s32 @!p0 s1  }
0x14e: {  	[bflag:$0x3] =	sbarrier.arrive $0xFFFF  }
0x14f: {  	_ =	shalt  }

</sc_bundles>
